<compile_context>
chip_gen: v7x
topology: tpu7x:2x2x1
jax: 0.10.2.dev20260603
libtpu: 0.0.44.dev20260713+nightly
codegen_flags: <defaults>
</compile_context>

<pallas_src>
import functools

import jax
import jax.numpy as jnp
from jax import lax
from jax.experimental import pallas as pl
from jax.experimental.pallas import tpu as pltpu
from jax.experimental.pallas import tpu_sc as plsc

WORD_VOCAB = 100000
WORD_DIM = 300
CHAR_VOCAB = 10000
EMB_DIM = 128
B, L = 1024, 200
N_TOK = B * L
NC, NS = 2, 16
NW = NC * NS
ROWS_PER_W = N_TOK // NW
CHUNK = 128
N_CHUNKS = ROWS_PER_W // CHUNK
LANES = 16
NBUF = 2


def _proj_body(wt_ref, w_ref, out_ref):
    out_ref[...] = jax.lax.dot_general(
        wt_ref[...], w_ref[...],
        (((1,), (1,)), ((), ())),
        preferred_element_type=jnp.float32,
    )


def _project(word_table, W):
    BLK = 4000
    return pl.pallas_call(
        _proj_body,
        grid=(WORD_VOCAB // BLK,),
        in_specs=[
            pl.BlockSpec((BLK, WORD_DIM), lambda i: (i, 0)),
            pl.BlockSpec((EMB_DIM, WORD_DIM), lambda i: (0, 0)),
        ],
        out_specs=pl.BlockSpec((BLK, EMB_DIM), lambda i: (i, 0)),
        out_shape=jax.ShapeDtypeStruct((WORD_VOCAB, EMB_DIM), jnp.float32),
    )(word_table, W)


_mesh = plsc.VectorSubcoreMesh(
    core_axis_name="c", subcore_axis_name="s", num_cores=NC, num_subcores=NS
)

_scratch = (
    [pltpu.VMEM((1, N_CHUNKS, CHUNK), jnp.int32)] * 2
    + [pltpu.VMEM((CHUNK, EMB_DIM), jnp.float32)] * (2 * NBUF)
    + [pltpu.VMEM((CHUNK, EMB_DIM), jnp.float32)] * NBUF
    + [pltpu.SemaphoreType.DMA] * (3 * NBUF)
)


@functools.partial(
    pl.kernel,
    out_type=jax.ShapeDtypeStruct((N_TOK, EMB_DIM), jnp.float32),
    mesh=_mesh,
    scratch_types=_scratch,
)
def _sc_gather_add(p_hbm, ct_hbm, wi_hbm, ci_hbm, out_hbm,
                   idxw, idxc, gw0, gw1, gc0, gc1, o0, o1,
                   sgw0, sgw1, sgc0, sgc1, ss0, ss1):
    wid = lax.axis_index("s") * NC + lax.axis_index("c")
    pltpu.sync_copy(wi_hbm.at[pl.ds(wid, 1)], idxw)
    pltpu.sync_copy(ci_hbm.at[pl.ds(wid, 1)], idxc)
    base = wid * ROWS_PER_W

    gwb = (gw0, gw1)
    gcb = (gc0, gc1)
    ob = (o0, o1)
    sgw = (sgw0, sgw1)
    sgc = (sgc0, sgc1)
    ss = (ss0, ss1)

    def issue_g(j, p):
        pltpu.async_copy(p_hbm.at[idxw.at[0, j]], gwb[p], sgw[p])
        pltpu.async_copy(ct_hbm.at[idxc.at[0, j]], gcb[p], sgc[p])

    def wait_g(j, p):
        pltpu.make_async_copy(p_hbm.at[idxw.at[0, j]], gwb[p], sgw[p]).wait()
        pltpu.make_async_copy(ct_hbm.at[idxc.at[0, j]], gcb[p], sgc[p]).wait()

    def issue_s(j, p):
        pltpu.async_copy(ob[p], out_hbm.at[pl.ds(base + j * CHUNK, CHUNK)], ss[p])

    def wait_s(j, p):
        pltpu.make_async_copy(
            ob[p], out_hbm.at[pl.ds(base + j * CHUNK, CHUNK)], ss[p]
        ).wait()

    def add_chunk(p):
        gw, gc, o = gwb[p], gcb[p], ob[p]

        def row(r, carry):
            for k in range(EMB_DIM // LANES):
                sl = pl.ds(k * LANES, LANES)
                o[r, sl] = gw[r, sl] + gc[r, sl]
            return carry

        lax.fori_loop(0, CHUNK, row, 0)

    def step(j, p, do_wait_s, gnext):
        wait_g(j, p)
        if do_wait_s:
            wait_s(j - NBUF, p)
        add_chunk(p)
        issue_s(j, p)
        if gnext:
            issue_g(j + NBUF, p)

    for p in range(NBUF):
        issue_g(p, p)

    for j in range(NBUF):
        step(j, j, False, True)

    def steady(g, carry):
        for k in range(NBUF):
            j = NBUF * g + k
            step(j, k, True, True)
        return carry

    lax.fori_loop(1, N_CHUNKS // NBUF - 1, steady, 0)

    step(48, 0, True, False)
    step(49, 1, True, False)
    for j, p in ((48, 0), (49, 1)):
        wait_s(j, p)


def kernel(word, char, word_table, char_table, W):
    P = _project(word_table, W)
    wi = word.reshape(NW, N_CHUNKS, CHUNK).astype(jnp.int32)
    ci = char.reshape(NW, N_CHUNKS, CHUNK).astype(jnp.int32)
    out = _sc_gather_add(P, char_table, wi, ci)
    return out.reshape(B, L, EMB_DIM)

# --- scband reference (transcript-rebuilt; emitter-appended) ---
"""Pipeline reference for scband-mix-embedding-48404281425952 (READ-ONLY COPY).

The authoritative reference and input builder live on the scoring server;
editing this copy changes nothing except your own understanding.
"""

import jax, jax.numpy as jnp
import numpy as np

WORD_VOCAB = 100000
WORD_DIM = 300
CHAR_VOCAB = 10000
EMB_DIM = 128
B, L = 1024, 200

def setup_inputs(seed: int = 0) -> dict:
    key = jax.random.key(seed)
    k1, k2, k3, k4, k5 = jax.random.split(key, 5)
    word = jax.random.randint(k1, (B, L), 0, WORD_VOCAB)
    char = jax.random.randint(k2, (B, L), 0, CHAR_VOCAB)
    # pretrained (frozen) word embedding table, padding_idx=0 row zeroed
    word_table = jax.random.normal(k3, (WORD_VOCAB, WORD_DIM), dtype=jnp.float32) * 0.02
    word_table = word_table.at[0].set(0.0)
    # learned char embedding table, padding_idx=0 row zeroed
    char_table = jax.random.normal(k4, (CHAR_VOCAB, EMB_DIM), dtype=jnp.float32) * 0.02
    char_table = char_table.at[0].set(0.0)
    # word_linear: nn.Linear(WORD_DIM, EMB_DIM, bias=False) -> weight [EMB_DIM, WORD_DIM]
    W = jax.random.normal(k5, (EMB_DIM, WORD_DIM), dtype=jnp.float32) * (1.0 / np.sqrt(WORD_DIM))
    return {"word": word, "char": char, "word_table": word_table, "char_table": char_table, "W": W}

def reference(word, char, word_table, char_table, W):
    # word = self.word_embedding(word)
    w = jnp.take(word_table, word, axis=0)          # [B, L, WORD_DIM]
    # char = self.char_embedding(char)
    c = jnp.take(char_table, char, axis=0)          # [B, L, EMB_DIM]
    # word = self.word_linear(word)  (bias=False => x @ W.T)
    w = jnp.einsum('bld,od->blo', w, W)             # [B, L, EMB_DIM]
    return w + c

if __name__ == "__main__":
    import jax
    _d = setup_inputs()
    print(jax.jit(kernel)(*tuple(_d.values())))

</pallas_src>

<mosaic_0001>
#map = affine_map<(d0, d1) -> (0, 0)>
#map1 = affine_map<(d0, d1) -> (0, 0, 0)>
module attributes {stable_mosaic.version = 14 : i64} {
  func.func @_sc_gather_add(%arg0: i32, %arg1: i32, %arg2: memref<100000x128xf32, #tpu.memory_space<hbm>>, %arg3: memref<10000x128xf32, #tpu.memory_space<hbm>>, %arg4: memref<32x50x128xi32, #tpu.memory_space<hbm>>, %arg5: memref<32x50x128xi32, #tpu.memory_space<hbm>>, %arg6: memref<204800x128xf32, #tpu.memory_space<hbm>>, %arg7: memref<1x50x128xi32, #tpu.memory_space<vmem>>, %arg8: memref<1x50x128xi32, #tpu.memory_space<vmem>>, %arg9: memref<128x128xf32, #tpu.memory_space<vmem>>, %arg10: memref<128x128xf32, #tpu.memory_space<vmem>>, %arg11: memref<128x128xf32, #tpu.memory_space<vmem>>, %arg12: memref<128x128xf32, #tpu.memory_space<vmem>>, %arg13: memref<128x128xf32, #tpu.memory_space<vmem>>, %arg14: memref<128x128xf32, #tpu.memory_space<vmem>>, %arg15: memref<!tpu.dma_semaphore, #tpu.memory_space<semaphore_mem>>, %arg16: memref<!tpu.dma_semaphore, #tpu.memory_space<semaphore_mem>>, %arg17: memref<!tpu.dma_semaphore, #tpu.memory_space<semaphore_mem>>, %arg18: memref<!tpu.dma_semaphore, #tpu.memory_space<semaphore_mem>>, %arg19: memref<!tpu.dma_semaphore, #tpu.memory_space<semaphore_mem>>, %arg20: memref<!tpu.dma_semaphore, #tpu.memory_space<semaphore_mem>>) attributes {dimension_semantics = [#tpu.dimension_semantics<core_parallel>, #tpu.dimension_semantics<subcore_parallel>], iteration_bounds = array<i64: 2, 16>, scalar_prefetch = 0 : i64, scratch_operands = 14 : i64, tpu.core_type = #tpu.core_type<sc_vector_subcore>, window_params = [{transform_indices = #map}, {transform_indices = #map}, {transform_indices = #map1}, {transform_indices = #map1}, {transform_indices = #map}]} {
    %mul3A = arith.constant 2 : i32
    %mul3A_0 = arith.muli %arg1, %mul3A : i32
    %add3A = arith.addi %mul3A_0, %arg0 : i32
    "tpu.region"() ({
      %run_scoped3A = tpu.sem_alloc : memref<!tpu.dma_semaphore, #tpu.memory_space<semaphore_mem>>
      %dma_start3A_206 = arith.constant 0 : i32
      %dma_start3A_207 = arith.constant 0 : i32
      %dma_start3A_208 = tpu.memref_slice %arg4[%add3A, %dma_start3A_206, %dma_start3A_207] : memref<32x50x128xi32, #tpu.memory_space<hbm>> -> memref<1x50x128xi32, #tpu.memory_space<hbm>>
      %dma_start3A_209 = arith.constant 0 : i32
      %dma_start3A_210 = arith.constant 0 : i32
      %dma_start3A_211 = tpu.memref_slice %arg4[%add3A, %dma_start3A_209, %dma_start3A_210] : memref<32x50x128xi32, #tpu.memory_space<hbm>> -> memref<1x50x128xi32, #tpu.memory_space<hbm>>
      tpu.enqueue_dma source(%dma_start3A_211 : memref<1x50x128xi32, #tpu.memory_space<hbm>>) target(%arg7 : memref<1x50x128xi32, #tpu.memory_space<vmem>>) target_semaphore(%run_scoped3A : memref<!tpu.dma_semaphore, #tpu.memory_space<semaphore_mem>>)
      %dma_wait3A_212 = arith.constant 0 : i32
      %dma_wait3A_213 = arith.constant 0 : i32
      %dma_wait3A_214 = tpu.memref_slice %arg4[%add3A, %dma_wait3A_212, %dma_wait3A_213] : memref<32x50x128xi32, #tpu.memory_space<hbm>> -> memref<1x50x128xi32, #tpu.memory_space<hbm>>
      %dma_wait3A_215 = arith.constant 0 : i32
      %dma_wait3A_216 = arith.constant 0 : i32
      %dma_wait3A_217 = tpu.memref_slice %arg4[%add3A, %dma_wait3A_215, %dma_wait3A_216] : memref<32x50x128xi32, #tpu.memory_space<hbm>> -> memref<1x50x128xi32, #tpu.memory_space<hbm>>
      tpu.wait_dma2 semaphore(%run_scoped3A : memref<!tpu.dma_semaphore, #tpu.memory_space<semaphore_mem>>) src(%dma_wait3A_217 : memref<1x50x128xi32, #tpu.memory_space<hbm>>) dst(%arg7 : memref<1x50x128xi32, #tpu.memory_space<vmem>>)
      tpu.yield
    }) : () -> ()
    "tpu.region"() ({
      %run_scoped3A = tpu.sem_alloc : memref<!tpu.dma_semaphore, #tpu.memory_space<semaphore_mem>>
      %dma_start3A_206 = arith.constant 0 : i32
      %dma_start3A_207 = arith.constant 0 : i32
      %dma_start3A_208 = tpu.memref_slice %arg5[%add3A, %dma_start3A_206, %dma_start3A_207] : memref<32x50x128xi32, #tpu.memory_space<hbm>> -> memref<1x50x128xi32, #tpu.memory_space<hbm>>
      %dma_start3A_209 = arith.constant 0 : i32
      %dma_start3A_210 = arith.constant 0 : i32
      %dma_start3A_211 = tpu.memref_slice %arg5[%add3A, %dma_start3A_209, %dma_start3A_210] : memref<32x50x128xi32, #tpu.memory_space<hbm>> -> memref<1x50x128xi32, #tpu.memory_space<hbm>>
      tpu.enqueue_dma source(%dma_start3A_211 : memref<1x50x128xi32, #tpu.memory_space<hbm>>) target(%arg8 : memref<1x50x128xi32, #tpu.memory_space<vmem>>) target_semaphore(%run_scoped3A : memref<!tpu.dma_semaphore, #tpu.memory_space<semaphore_mem>>)
      %dma_wait3A_212 = arith.constant 0 : i32
      %dma_wait3A_213 = arith.constant 0 : i32
      %dma_wait3A_214 = tpu.memref_slice %arg5[%add3A, %dma_wait3A_212, %dma_wait3A_213] : memref<32x50x128xi32, #tpu.memory_space<hbm>> -> memref<1x50x128xi32, #tpu.memory_space<hbm>>
      %dma_wait3A_215 = arith.constant 0 : i32
      %dma_wait3A_216 = arith.constant 0 : i32
      %dma_wait3A_217 = tpu.memref_slice %arg5[%add3A, %dma_wait3A_215, %dma_wait3A_216] : memref<32x50x128xi32, #tpu.memory_space<hbm>> -> memref<1x50x128xi32, #tpu.memory_space<hbm>>
      tpu.wait_dma2 semaphore(%run_scoped3A : memref<!tpu.dma_semaphore, #tpu.memory_space<semaphore_mem>>) src(%dma_wait3A_217 : memref<1x50x128xi32, #tpu.memory_space<hbm>>) dst(%arg8 : memref<1x50x128xi32, #tpu.memory_space<vmem>>)
      tpu.yield
    }) : () -> ()
    %mul3A_1 = arith.constant 6400 : i32
    %mul3A_2 = arith.muli %add3A, %mul3A_1 : i32
    %dma_start3A = arith.constant 0 : i32
    %dma_start3A_3 = arith.constant 0 : i32
    %dma_start3A_4 = arith.constant 0 : i32
    %dma_start3A_5 = tpu.memref_slice %arg7[%dma_start3A, %dma_start3A_3, %dma_start3A_4] : memref<1x50x128xi32, #tpu.memory_space<vmem>> -> memref<1x1x128xi32, #tpu.memory_space<vmem>>
    %dma_start3A_6 = tpu.memref_squeeze %dma_start3A_5 : memref<1x1x128xi32, #tpu.memory_space<vmem>> -> memref<128xi32, #tpu.memory_space<vmem>>
    %dma_start3A_7 = arith.constant 0 : i32
    %dma_start3A_8 = arith.constant 0 : i32
    %dma_start3A_9 = tpu.memref_slice %arg2[%dma_start3A_7, %dma_start3A_8] : memref<100000x128xf32, #tpu.memory_space<hbm>> -> memref<100000x128xf32, #tpu.memory_space<hbm>>
    tpu.enqueue_indirect_dma source(%dma_start3A_9 : memref<100000x128xf32, #tpu.memory_space<hbm>>) target(%arg9 : memref<128x128xf32, #tpu.memory_space<vmem>>) offsets(%dma_start3A_6 : memref<128xi32, #tpu.memory_space<vmem>>) semaphore(%arg15 : memref<!tpu.dma_semaphore, #tpu.memory_space<semaphore_mem>>)
    %dma_start3A_10 = arith.constant 0 : i32
    %dma_start3A_11 = arith.constant 0 : i32
    %dma_start3A_12 = arith.constant 0 : i32
    %dma_start3A_13 = tpu.memref_slice %arg8[%dma_start3A_10, %dma_start3A_11, %dma_start3A_12] : memref<1x50x128xi32, #tpu.memory_space<vmem>> -> memref<1x1x128xi32, #tpu.memory_space<vmem>>
    %dma_start3A_14 = tpu.memref_squeeze %dma_start3A_13 : memref<1x1x128xi32, #tpu.memory_space<vmem>> -> memref<128xi32, #tpu.memory_space<vmem>>
    %dma_start3A_15 = arith.constant 0 : i32
    %dma_start3A_16 = arith.constant 0 : i32
    %dma_start3A_17 = tpu.memref_slice %arg3[%dma_start3A_15, %dma_start3A_16] : memref<10000x128xf32, #tpu.memory_space<hbm>> -> memref<10000x128xf32, #tpu.memory_space<hbm>>
    tpu.enqueue_indirect_dma source(%dma_start3A_17 : memref<10000x128xf32, #tpu.memory_space<hbm>>) target(%arg11 : memref<128x128xf32, #tpu.memory_space<vmem>>) offsets(%dma_start3A_14 : memref<128xi32, #tpu.memory_space<vmem>>) semaphore(%arg17 : memref<!tpu.dma_semaphore, #tpu.memory_space<semaphore_mem>>)
    %dma_start3A_18 = arith.constant 0 : i32
    %dma_start3A_19 = arith.constant 1 : i32
    %dma_start3A_20 = arith.constant 0 : i32
    %dma_start3A_21 = tpu.memref_slice %arg7[%dma_start3A_18, %dma_start3A_19, %dma_start3A_20] : memref<1x50x128xi32, #tpu.memory_space<vmem>> -> memref<1x1x128xi32, #tpu.memory_space<vmem>>
    %dma_start3A_22 = tpu.memref_squeeze %dma_start3A_21 : memref<1x1x128xi32, #tpu.memory_space<vmem>> -> memref<128xi32, #tpu.memory_space<vmem>>
    %dma_start3A_23 = arith.constant 0 : i32
    %dma_start3A_24 = arith.constant 0 : i32
    %dma_start3A_25 = tpu.memref_slice %arg2[%dma_start3A_23, %dma_start3A_24] : memref<100000x128xf32, #tpu.memory_space<hbm>> -> memref<100000x128xf32, #tpu.memory_space<hbm>>
    tpu.enqueue_indirect_dma source(%dma_start3A_25 : memref<100000x128xf32, #tpu.memory_space<hbm>>) target(%arg10 : memref<128x128xf32, #tpu.memory_space<vmem>>) offsets(%dma_start3A_22 : memref<128xi32, #tpu.memory_space<vmem>>) semaphore(%arg16 : memref<!tpu.dma_semaphore, #tpu.memory_space<semaphore_mem>>)
    %dma_start3A_26 = arith.constant 0 : i32
    %dma_start3A_27 = arith.constant 1 : i32
    %dma_start3A_28 = arith.constant 0 : i32
    %dma_start3A_29 = tpu.memref_slice %arg8[%dma_start3A_26, %dma_start3A_27, %dma_start3A_28] : memref<1x50x128xi32, #tpu.memory_space<vmem>> -> memref<1x1x128xi32, #tpu.memory_space<vmem>>
    %dma_start3A_30 = tpu.memref_squeeze %dma_start3A_29 : memref<1x1x128xi32, #tpu.memory_space<vmem>> -> memref<128xi32, #tpu.memory_space<vmem>>
    %dma_start3A_31 = arith.constant 0 : i32
    %dma_start3A_32 = arith.constant 0 : i32
    %dma_start3A_33 = tpu.memref_slice %arg3[%dma_start3A_31, %dma_start3A_32] : memref<10000x128xf32, #tpu.memory_space<hbm>> -> memref<10000x128xf32, #tpu.memory_space<hbm>>
    tpu.enqueue_indirect_dma source(%dma_start3A_33 : memref<10000x128xf32, #tpu.memory_space<hbm>>) target(%arg12 : memref<128x128xf32, #tpu.memory_space<vmem>>) offsets(%dma_start3A_30 : memref<128xi32, #tpu.memory_space<vmem>>) semaphore(%arg18 : memref<!tpu.dma_semaphore, #tpu.memory_space<semaphore_mem>>)
    %dma_wait3A = arith.constant 0 : i32
    %dma_wait3A_34 = arith.constant 0 : i32
    %dma_wait3A_35 = arith.constant 0 : i32
    %dma_wait3A_36 = tpu.memref_slice %arg7[%dma_wait3A, %dma_wait3A_34, %dma_wait3A_35] : memref<1x50x128xi32, #tpu.memory_space<vmem>> -> memref<1x1x128xi32, #tpu.memory_space<vmem>>
    %dma_wait3A_37 = tpu.memref_squeeze %dma_wait3A_36 : memref<1x1x128xi32, #tpu.memory_space<vmem>> -> memref<128xi32, #tpu.memory_space<vmem>>
    %dma_wait3A_38 = arith.constant 0 : i32
    %dma_wait3A_39 = arith.constant 0 : i32
    %dma_wait3A_40 = tpu.memref_slice %arg2[%dma_wait3A_38, %dma_wait3A_39] : memref<100000x128xf32, #tpu.memory_space<hbm>> -> memref<100000x128xf32, #tpu.memory_space<hbm>>
    tpu.wait_indirect_dma semaphore(%arg15 : memref<!tpu.dma_semaphore, #tpu.memory_space<semaphore_mem>>) src(%dma_wait3A_40 : memref<100000x128xf32, #tpu.memory_space<hbm>>) dst(%arg9 : memref<128x128xf32, #tpu.memory_space<vmem>>)
    %dma_wait3A_41 = arith.constant 0 : i32
    %dma_wait3A_42 = arith.constant 0 : i32
    %dma_wait3A_43 = arith.constant 0 : i32
    %dma_wait3A_44 = tpu.memref_slice %arg8[%dma_wait3A_41, %dma_wait3A_42, %dma_wait3A_43] : memref<1x50x128xi32, #tpu.memory_space<vmem>> -> memref<1x1x128xi32, #tpu.memory_space<vmem>>
    %dma_wait3A_45 = tpu.memref_squeeze %dma_wait3A_44 : memref<1x1x128xi32, #tpu.memory_space<vmem>> -> memref<128xi32, #tpu.memory_space<vmem>>
    %dma_wait3A_46 = arith.constant 0 : i32
    %dma_wait3A_47 = arith.constant 0 : i32
    %dma_wait3A_48 = tpu.memref_slice %arg3[%dma_wait3A_46, %dma_wait3A_47] : memref<10000x128xf32, #tpu.memory_space<hbm>> -> memref<10000x128xf32, #tpu.memory_space<hbm>>
    tpu.wait_indirect_dma semaphore(%arg17 : memref<!tpu.dma_semaphore, #tpu.memory_space<semaphore_mem>>) src(%dma_wait3A_48 : memref<10000x128xf32, #tpu.memory_space<hbm>>) dst(%arg11 : memref<128x128xf32, #tpu.memory_space<vmem>>)
    %scan3A = arith.constant 0 : i32
    %scan3A_49 = arith.constant 0 : i32
    %scan3A_50 = arith.constant 128 : i32
    %scan3A_51 = arith.addi %scan3A_49, %scan3A_50 : i32
    %scan3A_52 = arith.constant 1 : i32
    scf.for %scan3A_206 = %scan3A_49 to %scan3A_51 step %scan3A_52  : i32 {
      %get3A = arith.index_cast %scan3A_206 : i32 to index
      %get3A_207 = arith.constant 0 : index
      %get3A_208 = tpu.vector_load %arg9[%get3A, %get3A_207] {strides = array<i32>} : memref<128x128xf32, #tpu.memory_space<vmem>>, vector<1x16xf32>,
      %get3A_209 = vector.shape_cast %get3A_208 : vector<1x16xf32> to vector<16xf32>
      %get3A_210 = arith.index_cast %scan3A_206 : i32 to index
      %get3A_211 = arith.constant 0 : index
      %get3A_212 = tpu.vector_load %arg11[%get3A_210, %get3A_211] {strides = array<i32>} : memref<128x128xf32, #tpu.memory_space<vmem>>, vector<1x16xf32>,
      %get3A_213 = vector.shape_cast %get3A_212 : vector<1x16xf32> to vector<16xf32>
      %add3A_214 = arith.addf %get3A_209, %get3A_213 : vector<16xf32>
      %swap3A = arith.index_cast %scan3A_206 : i32 to index
      %swap3A_215 = arith.constant 0 : index
      %swap3A_216 = tpu.vector_load %arg13[%swap3A, %swap3A_215] {strides = array<i32>} : memref<128x128xf32, #tpu.memory_space<vmem>>, vector<1x16xf32>,
      %swap3A_217 = vector.shape_cast %swap3A_216 : vector<1x16xf32> to vector<16xf32>
      %swap3A_218 = vector.shape_cast %add3A_214 : vector<16xf32> to vector<1x16xf32>
      tpu.vector_store %arg13[%swap3A, %swap3A_215], %swap3A_218 {strides = array<i32>} : memref<128x128xf32, #tpu.memory_space<vmem>>, vector<1x16xf32>,
      %get3A_219 = arith.index_cast %scan3A_206 : i32 to index
      %get3A_220 = arith.constant 16 : index
      %get3A_221 = tpu.vector_load %arg9[%get3A_219, %get3A_220] {strides = array<i32>} : memref<128x128xf32, #tpu.memory_space<vmem>>, vector<1x16xf32>,
      %get3A_222 = vector.shape_cast %get3A_221 : vector<1x16xf32> to vector<16xf32>
      %get3A_223 = arith.index_cast %scan3A_206 : i32 to index
      %get3A_224 = arith.constant 16 : index
      %get3A_225 = tpu.vector_load %arg11[%get3A_223, %get3A_224] {strides = array<i32>} : memref<128x128xf32, #tpu.memory_space<vmem>>, vector<1x16xf32>,
      %get3A_226 = vector.shape_cast %get3A_225 : vector<1x16xf32> to vector<16xf32>
      %add3A_227 = arith.addf %get3A_222, %get3A_226 : vector<16xf32>
      %swap3A_228 = arith.index_cast %scan3A_206 : i32 to index
      %swap3A_229 = arith.constant 16 : index
      %swap3A_230 = tpu.vector_load %arg13[%swap3A_228, %swap3A_229] {strides = array<i32>} : memref<128x128xf32, #tpu.memory_space<vmem>>, vector<1x16xf32>,
      %swap3A_231 = vector.shape_cast %swap3A_230 : vector<1x16xf32> to vector<16xf32>
      %swap3A_232 = vector.shape_cast %add3A_227 : vector<16xf32> to vector<1x16xf32>
      tpu.vector_store %arg13[%swap3A_228, %swap3A_229], %swap3A_232 {strides = array<i32>} : memref<128x128xf32, #tpu.memory_space<vmem>>, vector<1x16xf32>,
      %get3A_233 = arith.index_cast %scan3A_206 : i32 to index
      %get3A_234 = arith.constant 32 : index
      %get3A_235 = tpu.vector_load %arg9[%get3A_233, %get3A_234] {strides = array<i32>} : memref<128x128xf32, #tpu.memory_space<vmem>>, vector<1x16xf32>,
      %get3A_236 = vector.shape_cast %get3A_235 : vector<1x16xf32> to vector<16xf32>
      %get3A_237 = arith.index_cast %scan3A_206 : i32 to index
      %get3A_238 = arith.constant 32 : index
      %get3A_239 = tpu.vector_load %arg11[%get3A_237, %get3A_238] {strides = array<i32>} : memref<128x128xf32, #tpu.memory_space<vmem>>, vector<1x16xf32>,
      %get3A_240 = vector.shape_cast %get3A_239 : vector<1x16xf32> to vector<16xf32>
      %add3A_241 = arith.addf %get3A_236, %get3A_240 : vector<16xf32>
      %swap3A_242 = arith.index_cast %scan3A_206 : i32 to index
      %swap3A_243 = arith.constant 32 : index
      %swap3A_244 = tpu.vector_load %arg13[%swap3A_242, %swap3A_243] {strides = array<i32>} : memref<128x128xf32, #tpu.memory_space<vmem>>, vector<1x16xf32>,
      %swap3A_245 = vector.shape_cast %swap3A_244 : vector<1x16xf32> to vector<16xf32>
      %swap3A_246 = vector.shape_cast %add3A_241 : vector<16xf32> to vector<1x16xf32>
      tpu.vector_store %arg13[%swap3A_242, %swap3A_243], %swap3A_246 {strides = array<i32>} : memref<128x128xf32, #tpu.memory_space<vmem>>, vector<1x16xf32>,
      %get3A_247 = arith.index_cast %scan3A_206 : i32 to index
      %get3A_248 = arith.constant 48 : index
      %get3A_249 = tpu.vector_load %arg9[%get3A_247, %get3A_248] {strides = array<i32>} : memref<128x128xf32, #tpu.memory_space<vmem>>, vector<1x16xf32>,
      %get3A_250 = vector.shape_cast %get3A_249 : vector<1x16xf32> to vector<16xf32>
      %get3A_251 = arith.index_cast %scan3A_206 : i32 to index
      %get3A_252 = arith.constant 48 : index
      %get3A_253 = tpu.vector_load %arg11[%get3A_251, %get3A_252] {strides = array<i32>} : memref<128x128xf32, #tpu.memory_space<vmem>>, vector<1x16xf32>,
      %get3A_254 = vector.shape_cast %get3A_253 : vector<1x16xf32> to vector<16xf32>
      %add3A_255 = arith.addf %get3A_250, %get3A_254 : vector<16xf32>
      %swap3A_256 = arith.index_cast %scan3A_206 : i32 to index
      %swap3A_257 = arith.constant 48 : index
      %swap3A_258 = tpu.vector_load %arg13[%swap3A_256, %swap3A_257] {strides = array<i32>} : memref<128x128xf32, #tpu.memory_space<vmem>>, vector<1x16xf32>,
      %swap3A_259 = vector.shape_cast %swap3A_258 : vector<1x16xf32> to vector<16xf32>
      %swap3A_260 = vector.shape_cast %add3A_255 : vector<16xf32> to vector<1x16xf32>
      tpu.vector_store %arg13[%swap3A_256, %swap3A_257], %swap3A_260 {strides = array<i32>} : memref<128x128xf32, #tpu.memory_space<vmem>>, vector<1x16xf32>,
      %get3A_261 = arith.index_cast %scan3A_206 : i32 to index
      %get3A_262 = arith.constant 64 : index
      %get3A_263 = tpu.vector_load %arg9[%get3A_261, %get3A_262] {strides = array<i32>} : memref<128x128xf32, #tpu.memory_space<vmem>>, vector<1x16xf32>,
      %get3A_264 = vector.shape_cast %get3A_263 : vector<1x16xf32> to vector<16xf32>
      %get3A_265 = arith.index_cast %scan3A_206 : i32 to index
      %get3A_266 = arith.constant 64 : index
      %get3A_267 = tpu.vector_load %arg11[%get3A_265, %get3A_266] {strides = array<i32>} : memref<128x128xf32, #tpu.memory_space<vmem>>, vector<1x16xf32>,
      %get3A_268 = vector.shape_cast %get3A_267 : vector<1x16xf32> to vector<16xf32>
      %add3A_269 = arith.addf %get3A_264, %get3A_268 : vector<16xf32>
      %swap3A_270 = arith.index_cast %scan3A_206 : i32 to index
      %swap3A_271 = arith.constant 64 : index
      %swap3A_272 = tpu.vector_load %arg13[%swap3A_270, %swap3A_271] {strides = array<i32>} : memref<128x128xf32, #tpu.memory_space<vmem>>, vector<1x16xf32>,
      %swap3A_273 = vector.shape_cast %swap3A_272 : vector<1x16xf32> to vector<16xf32>
      %swap3A_274 = vector.shape_cast %add3A_269 : vector<16xf32> to vector<1x16xf32>
      tpu.vector_store %arg13[%swap3A_270, %swap3A_271], %swap3A_274 {strides = array<i32>} : memref<128x128xf32, #tpu.memory_space<vmem>>, vector<1x16xf32>,
      %get3A_275 = arith.index_cast %scan3A_206 : i32 to index
      %get3A_276 = arith.constant 80 : index
      %get3A_277 = tpu.vector_load %arg9[%get3A_275, %get3A_276] {strides = array<i32>} : memref<128x128xf32, #tpu.memory_space<vmem>>, vector<1x16xf32>,
      %get3A_278 = vector.shape_cast %get3A_277 : vector<1x16xf32> to vector<16xf32>
      %get3A_279 = arith.index_cast %scan3A_206 : i32 to index
      %get3A_280 = arith.constant 80 : index
      %get3A_281 = tpu.vector_load %arg11[%get3A_279, %get3A_280] {strides = array<i32>} : memref<128x128xf32, #tpu.memory_space<vmem>>, vector<1x16xf32>,
      %get3A_282 = vector.shape_cast %get3A_281 : vector<1x16xf32> to vector<16xf32>
      %add3A_283 = arith.addf %get3A_278, %get3A_282 : vector<16xf32>
      %swap3A_284 = arith.index_cast %scan3A_206 : i32 to index
      %swap3A_285 = arith.constant 80 : index
      %swap3A_286 = tpu.vector_load %arg13[%swap3A_284, %swap3A_285] {strides = array<i32>} : memref<128x128xf32, #tpu.memory_space<vmem>>, vector<1x16xf32>,
      %swap3A_287 = vector.shape_cast %swap3A_286 : vector<1x16xf32> to vector<16xf32>
      %swap3A_288 = vector.shape_cast %add3A_283 : vector<16xf32> to vector<1x16xf32>
      tpu.vector_store %arg13[%swap3A_284, %swap3A_285], %swap3A_288 {strides = array<i32>} : memref<128x128xf32, #tpu.memory_space<vmem>>, vector<1x16xf32>,
      %get3A_289 = arith.index_cast %scan3A_206 : i32 to index
      %get3A_290 = arith.constant 96 : index
      %get3A_291 = tpu.vector_load %arg9[%get3A_289, %get3A_290] {strides = array<i32>} : memref<128x128xf32, #tpu.memory_space<vmem>>, vector<1x16xf32>,
      %get3A_292 = vector.shape_cast %get3A_291 : vector<1x16xf32> to vector<16xf32>
      %get3A_293 = arith.index_cast %scan3A_206 : i32 to index
      %get3A_294 = arith.constant 96 : index
      %get3A_295 = tpu.vector_load %arg11[%get3A_293, %get3A_294] {strides = array<i32>} : memref<128x128xf32, #tpu.memory_space<vmem>>, vector<1x16xf32>,
      %get3A_296 = vector.shape_cast %get3A_295 : vector<1x16xf32> to vector<16xf32>
      %add3A_297 = arith.addf %get3A_292, %get3A_296 : vector<16xf32>
      %swap3A_298 = arith.index_cast %scan3A_206 : i32 to index
      %swap3A_299 = arith.constant 96 : index
      %swap3A_300 = tpu.vector_load %arg13[%swap3A_298, %swap3A_299] {strides = array<i32>} : memref<128x128xf32, #tpu.memory_space<vmem>>, vector<1x16xf32>,
      %swap3A_301 = vector.shape_cast %swap3A_300 : vector<1x16xf32> to vector<16xf32>
      %swap3A_302 = vector.shape_cast %add3A_297 : vector<16xf32> to vector<1x16xf32>
      tpu.vector_store %arg13[%swap3A_298, %swap3A_299], %swap3A_302 {strides = array<i32>} : memref<128x128xf32, #tpu.memory_space<vmem>>, vector<1x16xf32>,
      %get3A_303 = arith.index_cast %scan3A_206 : i32 to index
      %get3A_304 = arith.constant 112 : index
      %get3A_305 = tpu.vector_load %arg9[%get3A_303, %get3A_304] {strides = array<i32>} : memref<128x128xf32, #tpu.memory_space<vmem>>, vector<1x16xf32>,
      %get3A_306 = vector.shape_cast %get3A_305 : vector<1x16xf32> to vector<16xf32>
      %get3A_307 = arith.index_cast %scan3A_206 : i32 to index
      %get3A_308 = arith.constant 112 : index
      %get3A_309 = tpu.vector_load %arg11[%get3A_307, %get3A_308] {strides = array<i32>} : memref<128x128xf32, #tpu.memory_space<vmem>>, vector<1x16xf32>,
      %get3A_310 = vector.shape_cast %get3A_309 : vector<1x16xf32> to vector<16xf32>
      %add3A_311 = arith.addf %get3A_306, %get3A_310 : vector<16xf32>
      %swap3A_312 = arith.index_cast %scan3A_206 : i32 to index
      %swap3A_313 = arith.constant 112 : index
      %swap3A_314 = tpu.vector_load %arg13[%swap3A_312, %swap3A_313] {strides = array<i32>} : memref<128x128xf32, #tpu.memory_space<vmem>>, vector<1x16xf32>,
      %swap3A_315 = vector.shape_cast %swap3A_314 : vector<1x16xf32> to vector<16xf32>
      %swap3A_316 = vector.shape_cast %add3A_311 : vector<16xf32> to vector<1x16xf32>
      tpu.vector_store %arg13[%swap3A_312, %swap3A_313], %swap3A_316 {strides = array<i32>} : memref<128x128xf32, #tpu.memory_space<vmem>>, vector<1x16xf32>,
    }
    %scan3A_53 = arith.constant 128 : i32
    %add3A_54 = arith.constant 0 : i32
    %add3A_55 = arith.addi %mul3A_2, %add3A_54 : i32
    %dma_start3A_56 = arith.constant 0 : i32
    %dma_start3A_57 = tpu.memref_slice %arg6[%add3A_55, %dma_start3A_56] : memref<204800x128xf32, #tpu.memory_space<hbm>> -> memref<128x128xf32, #tpu.memory_space<hbm>>
    %dma_start3A_58 = arith.constant 0 : i32
    %dma_start3A_59 = tpu.memref_slice %arg6[%add3A_55, %dma_start3A_58] : memref<204800x128xf32, #tpu.memory_space<hbm>> -> memref<128x128xf32, #tpu.memory_space<hbm>>
    tpu.enqueue_dma source(%arg13 : memref<128x128xf32, #tpu.memory_space<vmem>>) target(%dma_start3A_59 : memref<128x128xf32, #tpu.memory_space<hbm>>) target_semaphore(%arg19 : memref<!tpu.dma_semaphore, #tpu.memory_space<semaphore_mem>>)
    %dma_start3A_60 = arith.constant 0 : i32
    %dma_start3A_61 = arith.constant 2 : i32
    %dma_start3A_62 = arith.constant 0 : i32
    %dma_start3A_63 = tpu.memref_slice %arg7[%dma_start3A_60, %dma_start3A_61, %dma_start3A_62] : memref<1x50x128xi32, #tpu.memory_space<vmem>> -> memref<1x1x128xi32, #tpu.memory_space<vmem>>
    %dma_start3A_64 = tpu.memref_squeeze %dma_start3A_63 : memref<1x1x128xi32, #tpu.memory_space<vmem>> -> memref<128xi32, #tpu.memory_space<vmem>>
    %dma_start3A_65 = arith.constant 0 : i32
    %dma_start3A_66 = arith.constant 0 : i32
    %dma_start3A_67 = tpu.memref_slice %arg2[%dma_start3A_65, %dma_start3A_66] : memref<100000x128xf32, #tpu.memory_space<hbm>> -> memref<100000x128xf32, #tpu.memory_space<hbm>>
    tpu.enqueue_indirect_dma source(%dma_start3A_67 : memref<100000x128xf32, #tpu.memory_space<hbm>>) target(%arg9 : memref<128x128xf32, #tpu.memory_space<vmem>>) offsets(%dma_start3A_64 : memref<128xi32, #tpu.memory_space<vmem>>) semaphore(%arg15 : memref<!tpu.dma_semaphore, #tpu.memory_space<semaphore_mem>>)
    %dma_start3A_68 = arith.constant 0 : i32
    %dma_start3A_69 = arith.constant 2 : i32
    %dma_start3A_70 = arith.constant 0 : i32
    %dma_start3A_71 = tpu.memref_slice %arg8[%dma_start3A_68, %dma_start3A_69, %dma_start3A_70] : memref<1x50x128xi32, #tpu.memory_space<vmem>> -> memref<1x1x128xi32, #tpu.memory_space<vmem>>
    %dma_start3A_72 = tpu.memref_squeeze %dma_start3A_71 : memref<1x1x128xi32, #tpu.memory_space<vmem>> -> memref<128xi32, #tpu.memory_space<vmem>>
    %dma_start3A_73 = arith.constant 0 : i32
    %dma_start3A_74 = arith.constant 0 : i32
    %dma_start3A_75 = tpu.memref_slice %arg3[%dma_start3A_73, %dma_start3A_74] : memref<10000x128xf32, #tpu.memory_space<hbm>> -> memref<10000x128xf32, #tpu.memory_space<hbm>>
    tpu.enqueue_indirect_dma source(%dma_start3A_75 : memref<10000x128xf32, #tpu.memory_space<hbm>>) target(%arg11 : memref<128x128xf32, #tpu.memory_space<vmem>>) offsets(%dma_start3A_72 : memref<128xi32, #tpu.memory_space<vmem>>) semaphore(%arg17 : memref<!tpu.dma_semaphore, #tpu.memory_space<semaphore_mem>>)
    %dma_wait3A_76 = arith.constant 0 : i32
    %dma_wait3A_77 = arith.constant 1 : i32
    %dma_wait3A_78 = arith.constant 0 : i32
    %dma_wait3A_79 = tpu.memref_slice %arg7[%dma_wait3A_76, %dma_wait3A_77, %dma_wait3A_78] : memref<1x50x128xi32, #tpu.memory_space<vmem>> -> memref<1x1x128xi32, #tpu.memory_space<vmem>>
    %dma_wait3A_80 = tpu.memref_squeeze %dma_wait3A_79 : memref<1x1x128xi32, #tpu.memory_space<vmem>> -> memref<128xi32, #tpu.memory_space<vmem>>
    %dma_wait3A_81 = arith.constant 0 : i32
    %dma_wait3A_82 = arith.constant 0 : i32
    %dma_wait3A_83 = tpu.memref_slice %arg2[%dma_wait3A_81, %dma_wait3A_82] : memref<100000x128xf32, #tpu.memory_space<hbm>> -> memref<100000x128xf32, #tpu.memory_space<hbm>>
    tpu.wait_indirect_dma semaphore(%arg16 : memref<!tpu.dma_semaphore, #tpu.memory_space<semaphore_mem>>) src(%dma_wait3A_83 : memref<100000x128xf32, #tpu.memory_space<hbm>>) dst(%arg10 : memref<128x128xf32, #tpu.memory_space<vmem>>)
    %dma_wait3A_84 = arith.constant 0 : i32
    %dma_wait3A_85 = arith.constant 1 : i32
    %dma_wait3A_86 = arith.constant 0 : i32
    %dma_wait3A_87 = tpu.memref_slice %arg8[%dma_wait3A_84, %dma_wait3A_85, %dma_wait3A_86] : memref<1x50x128xi32, #tpu.memory_space<vmem>> -> memref<1x1x128xi32, #tpu.memory_space<vmem>>
    %dma_wait3A_88 = tpu.memref_squeeze %dma_wait3A_87 : memref<1x1x128xi32, #tpu.memory_space<vmem>> -> memref<128xi32, #tpu.memory_space<vmem>>
    %dma_wait3A_89 = arith.constant 0 : i32
    %dma_wait3A_90 = arith.constant 0 : i32
    %dma_wait3A_91 = tpu.memref_slice %arg3[%dma_wait3A_89, %dma_wait3A_90] : memref<10000x128xf32, #tpu.memory_space<hbm>> -> memref<10000x128xf32, #tpu.memory_space<hbm>>
    tpu.wait_indirect_dma semaphore(%arg18 : memref<!tpu.dma_semaphore, #tpu.memory_space<semaphore_mem>>) src(%dma_wait3A_91 : memref<10000x128xf32, #tpu.memory_space<hbm>>) dst(%arg12 : memref<128x128xf32, #tpu.memory_space<vmem>>)
    %scan3A_92 = arith.constant 0 : i32
    %scan3A_93 = arith.constant 0 : i32
    %scan3A_94 = arith.constant 128 : i32
    %scan3A_95 = arith.addi %scan3A_93, %scan3A_94 : i32
    %scan3A_96 = arith.constant 1 : i32
    scf.for %scan3A_206 = %scan3A_93 to %scan3A_95 step %scan3A_96  : i32 {
      %get3A = arith.index_cast %scan3A_206 : i32 to index
      %get3A_207 = arith.constant 0 : index
      %get3A_208 = tpu.vector_load %arg10[%get3A, %get3A_207] {strides = array<i32>} : memref<128x128xf32, #tpu.memory_space<vmem>>, vector<1x16xf32>,
      %get3A_209 = vector.shape_cast %get3A_208 : vector<1x16xf32> to vector<16xf32>
      %get3A_210 = arith.index_cast %scan3A_206 : i32 to index
      %get3A_211 = arith.constant 0 : index
      %get3A_212 = tpu.vector_load %arg12[%get3A_210, %get3A_211] {strides = array<i32>} : memref<128x128xf32, #tpu.memory_space<vmem>>, vector<1x16xf32>,
      %get3A_213 = vector.shape_cast %get3A_212 : vector<1x16xf32> to vector<16xf32>
      %add3A_214 = arith.addf %get3A_209, %get3A_213 : vector<16xf32>
      %swap3A = arith.index_cast %scan3A_206 : i32 to index
      %swap3A_215 = arith.constant 0 : index
      %swap3A_216 = tpu.vector_load %arg14[%swap3A, %swap3A_215] {strides = array<i32>} : memref<128x128xf32, #tpu.memory_space<vmem>>, vector<1x16xf32>,
      %swap3A_217 = vector.shape_cast %swap3A_216 : vector<1x16xf32> to vector<16xf32>
      %swap3A_218 = vector.shape_cast %add3A_214 : vector<16xf32> to vector<1x16xf32>
      tpu.vector_store %arg14[%swap3A, %swap3A_215], %swap3A_218 {strides = array<i32>} : memref<128x128xf32, #tpu.memory_space<vmem>>, vector<1x16xf32>,
      %get3A_219 = arith.index_cast %scan3A_206 : i32 to index
      %get3A_220 = arith.constant 16 : index
      %get3A_221 = tpu.vector_load %arg10[%get3A_219, %get3A_220] {strides = array<i32>} : memref<128x128xf32, #tpu.memory_space<vmem>>, vector<1x16xf32>,
      %get3A_222 = vector.shape_cast %get3A_221 : vector<1x16xf32> to vector<16xf32>
      %get3A_223 = arith.index_cast %scan3A_206 : i32 to index
      %get3A_224 = arith.constant 16 : index
      %get3A_225 = tpu.vector_load %arg12[%get3A_223, %get3A_224] {strides = array<i32>} : memref<128x128xf32, #tpu.memory_space<vmem>>, vector<1x16xf32>,
      %get3A_226 = vector.shape_cast %get3A_225 : vector<1x16xf32> to vector<16xf32>
      %add3A_227 = arith.addf %get3A_222, %get3A_226 : vector<16xf32>
      %swap3A_228 = arith.index_cast %scan3A_206 : i32 to index
      %swap3A_229 = arith.constant 16 : index
      %swap3A_230 = tpu.vector_load %arg14[%swap3A_228, %swap3A_229] {strides = array<i32>} : memref<128x128xf32, #tpu.memory_space<vmem>>, vector<1x16xf32>,
      %swap3A_231 = vector.shape_cast %swap3A_230 : vector<1x16xf32> to vector<16xf32>
      %swap3A_232 = vector.shape_cast %add3A_227 : vector<16xf32> to vector<1x16xf32>
      tpu.vector_store %arg14[%swap3A_228, %swap3A_229], %swap3A_232 {strides = array<i32>} : memref<128x128xf32, #tpu.memory_space<vmem>>, vector<1x16xf32>,
      %get3A_233 = arith.index_cast %scan3A_206 : i32 to index
      %get3A_234 = arith.constant 32 : index
      %get3A_235 = tpu.vector_load %arg10[%get3A_233, %get3A_234] {strides = array<i32>} : memref<128x128xf32, #tpu.memory_space<vmem>>, vector<1x16xf32>,
      %get3A_236 = vector.shape_cast %get3A_235 : vector<1x16xf32> to vector<16xf32>
      %get3A_237 = arith.index_cast %scan3A_206 : i32 to index
      %get3A_238 = arith.constant 32 : index
      %get3A_239 = tpu.vector_load %arg12[%get3A_237, %get3A_238] {strides = array<i32>} : memref<128x128xf32, #tpu.memory_space<vmem>>, vector<1x16xf32>,
      %get3A_240 = vector.shape_cast %get3A_239 : vector<1x16xf32> to vector<16xf32>
      %add3A_241 = arith.addf %get3A_236, %get3A_240 : vector<16xf32>
      %swap3A_242 = arith.index_cast %scan3A_206 : i32 to index
      %swap3A_243 = arith.constant 32 : index
      %swap3A_244 = tpu.vector_load %arg14[%swap3A_242, %swap3A_243] {strides = array<i32>} : memref<128x128xf32, #tpu.memory_space<vmem>>, vector<1x16xf32>,
      %swap3A_245 = vector.shape_cast %swap3A_244 : vector<1x16xf32> to vector<16xf32>
      %swap3A_246 = vector.shape_cast %add3A_241 : vector<16xf32> to vector<1x16xf32>
      tpu.vector_store %arg14[%swap3A_242, %swap3A_243], %swap3A_246 {strides = array<i32>} : memref<128x128xf32, #tpu.memory_space<vmem>>, vector<1x16xf32>,
      %get3A_247 = arith.index_cast %scan3A_206 : i32 to index
      %get3A_248 = arith.constant 48 : index
      %get3A_249 = tpu.vector_load %arg10[%get3A_247, %get3A_248] {strides = array<i32>} : memref<128x128xf32, #tpu.memory_space<vmem>>, vector<1x16xf32>,
      %get3A_250 = vector.shape_cast %get3A_249 : vector<1x16xf32> to vector<16xf32>
      %get3A_251 = arith.index_cast %scan3A_206 : i32 to index
      %get3A_252 = arith.constant 48 : index
      %get3A_253 = tpu.vector_load %arg12[%get3A_251, %get3A_252] {strides = array<i32>} : memref<128x128xf32, #tpu.memory_space<vmem>>, vector<1x16xf32>,
      %get3A_254 = vector.shape_cast %get3A_253 : vector<1x16xf32> to vector<16xf32>
      %add3A_255 = arith.addf %get3A_250, %get3A_254 : vector<16xf32>
      %swap3A_256 = arith.index_cast %scan3A_206 : i32 to index
      %swap3A_257 = arith.constant 48 : index
      %swap3A_258 = tpu.vector_load %arg14[%swap3A_256, %swap3A_257] {strides = array<i32>} : memref<128x128xf32, #tpu.memory_space<vmem>>, vector<1x16xf32>,
      %swap3A_259 = vector.shape_cast %swap3A_258 : vector<1x16xf32> to vector<16xf32>
      %swap3A_260 = vector.shape_cast %add3A_255 : vector<16xf32> to vector<1x16xf32>
      tpu.vector_store %arg14[%swap3A_256, %swap3A_257], %swap3A_260 {strides = array<i32>} : memref<128x128xf32, #tpu.memory_space<vmem>>, vector<1x16xf32>,
      %get3A_261 = arith.index_cast %scan3A_206 : i32 to index
      %get3A_262 = arith.constant 64 : index
      %get3A_263 = tpu.vector_load %arg10[%get3A_261, %get3A_262] {strides = array<i32>} : memref<128x128xf32, #tpu.memory_space<vmem>>, vector<1x16xf32>,
      %get3A_264 = vector.shape_cast %get3A_263 : vector<1x16xf32> to vector<16xf32>
      %get3A_265 = arith.index_cast %scan3A_206 : i32 to index
      %get3A_266 = arith.constant 64 : index
      %get3A_267 = tpu.vector_load %arg12[%get3A_265, %get3A_266] {strides = array<i32>} : memref<128x128xf32, #tpu.memory_space<vmem>>, vector<1x16xf32>,
      %get3A_268 = vector.shape_cast %get3A_267 : vector<1x16xf32> to vector<16xf32>
      %add3A_269 = arith.addf %get3A_264, %get3A_268 : vector<16xf32>
      %swap3A_270 = arith.index_cast %scan3A_206 : i32 to index
      %swap3A_271 = arith.constant 64 : index
      %swap3A_272 = tpu.vector_load %arg14[%swap3A_270, %swap3A_271] {strides = array<i32>} : memref<128x128xf32, #tpu.memory_space<vmem>>, vector<1x16xf32>,
      %swap3A_273 = vector.shape_cast %swap3A_272 : vector<1x16xf32> to vector<16xf32>
      %swap3A_274 = vector.shape_cast %add3A_269 : vector<16xf32> to vector<1x16xf32>
      tpu.vector_store %arg14[%swap3A_270, %swap3A_271], %swap3A_274 {strides = array<i32>} : memref<128x128xf32, #tpu.memory_space<vmem>>, vector<1x16xf32>,
      %get3A_275 = arith.index_cast %scan3A_206 : i32 to index
      %get3A_276 = arith.constant 80 : index
      %get3A_277 = tpu.vector_load %arg10[%get3A_275, %get3A_276] {strides = array<i32>} : memref<128x128xf32, #tpu.memory_space<vmem>>, vector<1x16xf32>,
      %get3A_278 = vector.shape_cast %get3A_277 : vector<1x16xf32> to vector<16xf32>
      %get3A_279 = arith.index_cast %scan3A_206 : i32 to index
      %get3A_280 = arith.constant 80 : index
      %get3A_281 = tpu.vector_load %arg12[%get3A_279, %get3A_280] {strides = array<i32>} : memref<128x128xf32, #tpu.memory_space<vmem>>, vector<1x16xf32>,
      %get3A_282 = vector.shape_cast %get3A_281 : vector<1x16xf32> to vector<16xf32>
      %add3A_283 = arith.addf %get3A_278, %get3A_282 : vector<16xf32>
      %swap3A_284 = arith.index_cast %scan3A_206 : i32 to index
      %swap3A_285 = arith.constant 80 : index
      %swap3A_286 = tpu.vector_load %arg14[%swap3A_284, %swap3A_285] {strides = array<i32>} : memref<128x128xf32, #tpu.memory_space<vmem>>, vector<1x16xf32>,
      %swap3A_287 = vector.shape_cast %swap3A_286 : vector<1x16xf32> to vector<16xf32>
      %swap3A_288 = vector.shape_cast %add3A_283 : vector<16xf32> to vector<1x16xf32>
      tpu.vector_store %arg14[%swap3A_284, %swap3A_285], %swap3A_288 {strides = array<i32>} : memref<128x128xf32, #tpu.memory_space<vmem>>, vector<1x16xf32>,
      %get3A_289 = arith.index_cast %scan3A_206 : i32 to index
      %get3A_290 = arith.constant 96 : index
      %get3A_291 = tpu.vector_load %arg10[%get3A_289, %get3A_290] {strides = array<i32>} : memref<128x128xf32, #tpu.memory_space<vmem>>, vector<1x16xf32>,
      %get3A_292 = vector.shape_cast %get3A_291 : vector<1x16xf32> to vector<16xf32>
      %get3A_293 = arith.index_cast %scan3A_206 : i32 to index
      %get3A_294 = arith.constant 96 : index
      %get3A_295 = tpu.vector_load %arg12[%get3A_293, %get3A_294] {strides = array<i32>} : memref<128x128xf32, #tpu.memory_space<vmem>>, vector<1x16xf32>,
      %get3A_296 = vector.shape_cast %get3A_295 : vector<1x16xf32> to vector<16xf32>
      %add3A_297 = arith.addf %get3A_292, %get3A_296 : vector<16xf32>
      %swap3A_298 = arith.index_cast %scan3A_206 : i32 to index
      %swap3A_299 = arith.constant 96 : index
      %swap3A_300 = tpu.vector_load %arg14[%swap3A_298, %swap3A_299] {strides = array<i32>} : memref<128x128xf32, #tpu.memory_space<vmem>>, vector<1x16xf32>,
      %swap3A_301 = vector.shape_cast %swap3A_300 : vector<1x16xf32> to vector<16xf32>
      %swap3A_302 = vector.shape_cast %add3A_297 : vector<16xf32> to vector<1x16xf32>
      tpu.vector_store %arg14[%swap3A_298, %swap3A_299], %swap3A_302 {strides = array<i32>} : memref<128x128xf32, #tpu.memory_space<vmem>>, vector<1x16xf32>,
      %get3A_303 = arith.index_cast %scan3A_206 : i32 to index
      %get3A_304 = arith.constant 112 : index
      %get3A_305 = tpu.vector_load %arg10[%get3A_303, %get3A_304] {strides = array<i32>} : memref<128x128xf32, #tpu.memory_space<vmem>>, vector<1x16xf32>,
      %get3A_306 = vector.shape_cast %get3A_305 : vector<1x16xf32> to vector<16xf32>
      %get3A_307 = arith.index_cast %scan3A_206 : i32 to index
      %get3A_308 = arith.constant 112 : index
      %get3A_309 = tpu.vector_load %arg12[%get3A_307, %get3A_308] {strides = array<i32>} : memref<128x128xf32, #tpu.memory_space<vmem>>, vector<1x16xf32>,
      %get3A_310 = vector.shape_cast %get3A_309 : vector<1x16xf32> to vector<16xf32>
      %add3A_311 = arith.addf %get3A_306, %get3A_310 : vector<16xf32>
      %swap3A_312 = arith.index_cast %scan3A_206 : i32 to index
      %swap3A_313 = arith.constant 112 : index
      %swap3A_314 = tpu.vector_load %arg14[%swap3A_312, %swap3A_313] {strides = array<i32>} : memref<128x128xf32, #tpu.memory_space<vmem>>, vector<1x16xf32>,
      %swap3A_315 = vector.shape_cast %swap3A_314 : vector<1x16xf32> to vector<16xf32>
      %swap3A_316 = vector.shape_cast %add3A_311 : vector<16xf32> to vector<1x16xf32>
      tpu.vector_store %arg14[%swap3A_312, %swap3A_313], %swap3A_316 {strides = array<i32>} : memref<128x128xf32, #tpu.memory_space<vmem>>, vector<1x16xf32>,
    }
    %scan3A_97 = arith.constant 128 : i32
    %add3A_98 = arith.constant 128 : i32
    %add3A_99 = arith.addi %mul3A_2, %add3A_98 : i32
    %dma_start3A_100 = arith.constant 0 : i32
    %dma_start3A_101 = tpu.memref_slice %arg6[%add3A_99, %dma_start3A_100] : memref<204800x128xf32, #tpu.memory_space<hbm>> -> memref<128x128xf32, #tpu.memory_space<hbm>>
    %dma_start3A_102 = arith.constant 0 : i32
    %dma_start3A_103 = tpu.memref_slice %arg6[%add3A_99, %dma_start3A_102] : memref<204800x128xf32, #tpu.memory_space<hbm>> -> memref<128x128xf32, #tpu.memory_space<hbm>>
    tpu.enqueue_dma source(%arg14 : memref<128x128xf32, #tpu.memory_space<vmem>>) target(%dma_start3A_103 : memref<128x128xf32, #tpu.memory_space<hbm>>) target_semaphore(%arg20 : memref<!tpu.dma_semaphore, #tpu.memory_space<semaphore_mem>>)
    %dma_start3A_104 = arith.constant 0 : i32
    %dma_start3A_105 = arith.constant 3 : i32
    %dma_start3A_106 = arith.constant 0 : i32
    %dma_start3A_107 = tpu.memref_slice %arg7[%dma_start3A_104, %dma_start3A_105, %dma_start3A_106] : memref<1x50x128xi32, #tpu.memory_space<vmem>> -> memref<1x1x128xi32, #tpu.memory_space<vmem>>
    %dma_start3A_108 = tpu.memref_squeeze %dma_start3A_107 : memref<1x1x128xi32, #tpu.memory_space<vmem>> -> memref<128xi32, #tpu.memory_space<vmem>>
    %dma_start3A_109 = arith.constant 0 : i32
    %dma_start3A_110 = arith.constant 0 : i32
    %dma_start3A_111 = tpu.memref_slice %arg2[%dma_start3A_109, %dma_start3A_110] : memref<100000x128xf32, #tpu.memory_space<hbm>> -> memref<100000x128xf32, #tpu.memory_space<hbm>>
    tpu.enqueue_indirect_dma source(%dma_start3A_111 : memref<100000x128xf32, #tpu.memory_space<hbm>>) target(%arg10 : memref<128x128xf32, #tpu.memory_space<vmem>>) offsets(%dma_start3A_108 : memref<128xi32, #tpu.memory_space<vmem>>) semaphore(%arg16 : memref<!tpu.dma_semaphore, #tpu.memory_space<semaphore_mem>>)
    %dma_start3A_112 = arith.constant 0 : i32
    %dma_start3A_113 = arith.constant 3 : i32
    %dma_start3A_114 = arith.constant 0 : i32
    %dma_start3A_115 = tpu.memref_slice %arg8[%dma_start3A_112, %dma_start3A_113, %dma_start3A_114] : memref<1x50x128xi32, #tpu.memory_space<vmem>> -> memref<1x1x128xi32, #tpu.memory_space<vmem>>
    %dma_start3A_116 = tpu.memref_squeeze %dma_start3A_115 : memref<1x1x128xi32, #tpu.memory_space<vmem>> -> memref<128xi32, #tpu.memory_space<vmem>>
    %dma_start3A_117 = arith.constant 0 : i32
    %dma_start3A_118 = arith.constant 0 : i32
    %dma_start3A_119 = tpu.memref_slice %arg3[%dma_start3A_117, %dma_start3A_118] : memref<10000x128xf32, #tpu.memory_space<hbm>> -> memref<10000x128xf32, #tpu.memory_space<hbm>>
    tpu.enqueue_indirect_dma source(%dma_start3A_119 : memref<10000x128xf32, #tpu.memory_space<hbm>>) target(%arg12 : memref<128x128xf32, #tpu.memory_space<vmem>>) offsets(%dma_start3A_116 : memref<128xi32, #tpu.memory_space<vmem>>) semaphore(%arg18 : memref<!tpu.dma_semaphore, #tpu.memory_space<semaphore_mem>>)
    %scan3A_120 = arith.constant 0 : i32
    %scan3A_121 = arith.constant 1 : i32
    %scan3A_122 = arith.constant 23 : i32
    %scan3A_123 = arith.addi %scan3A_121, %scan3A_122 : i32
    %scan3A_124 = arith.constant 1 : i32
    scf.for %scan3A_206 = %scan3A_121 to %scan3A_123 step %scan3A_124  : i32 {
      %mul3A_207 = arith.constant 2 : i32
      %mul3A_208 = arith.muli %mul3A_207, %scan3A_206 : i32
      %add3A_209 = arith.constant 0 : i32
      %add3A_210 = arith.addi %mul3A_208, %add3A_209 : i32
      %dma_wait3A_211 = arith.constant 0 : i32
      %dma_wait3A_212 = arith.constant 0 : i32
      %dma_wait3A_213 = tpu.memref_slice %arg7[%dma_wait3A_211, %add3A_210, %dma_wait3A_212] : memref<1x50x128xi32, #tpu.memory_space<vmem>> -> memref<1x1x128xi32, #tpu.memory_space<vmem>>
      %dma_wait3A_214 = tpu.memref_squeeze %dma_wait3A_213 : memref<1x1x128xi32, #tpu.memory_space<vmem>> -> memref<128xi32, #tpu.memory_space<vmem>>
      %dma_wait3A_215 = arith.constant 0 : i32
      %dma_wait3A_216 = arith.constant 0 : i32
      %dma_wait3A_217 = tpu.memref_slice %arg2[%dma_wait3A_215, %dma_wait3A_216] : memref<100000x128xf32, #tpu.memory_space<hbm>> -> memref<100000x128xf32, #tpu.memory_space<hbm>>
      tpu.wait_indirect_dma semaphore(%arg15 : memref<!tpu.dma_semaphore, #tpu.memory_space<semaphore_mem>>) src(%dma_wait3A_217 : memref<100000x128xf32, #tpu.memory_space<hbm>>) dst(%arg9 : memref<128x128xf32, #tpu.memory_space<vmem>>)
      %dma_wait3A_218 = arith.constant 0 : i32
      %dma_wait3A_219 = arith.constant 0 : i32
      %dma_wait3A_220 = tpu.memref_slice %arg8[%dma_wait3A_218, %add3A_210, %dma_wait3A_219] : memref<1x50x128xi32, #tpu.memory_space<vmem>> -> memref<1x1x128xi32, #tpu.memory_space<vmem>>
      %dma_wait3A_221 = tpu.memref_squeeze %dma_wait3A_220 : memref<1x1x128xi32, #tpu.memory_space<vmem>> -> memref<128xi32, #tpu.memory_space<vmem>>
      %dma_wait3A_222 = arith.constant 0 : i32
      %dma_wait3A_223 = arith.constant 0 : i32
      %dma_wait3A_224 = tpu.memref_slice %arg3[%dma_wait3A_222, %dma_wait3A_223] : memref<10000x128xf32, #tpu.memory_space<hbm>> -> memref<10000x128xf32, #tpu.memory_space<hbm>>
      tpu.wait_indirect_dma semaphore(%arg17 : memref<!tpu.dma_semaphore, #tpu.memory_space<semaphore_mem>>) src(%dma_wait3A_224 : memref<10000x128xf32, #tpu.memory_space<hbm>>) dst(%arg11 : memref<128x128xf32, #tpu.memory_space<vmem>>)
      %sub3A = arith.constant 2 : i32
      %sub3A_225 = arith.subi %add3A_210, %sub3A : i32
      %mul3A_226 = arith.constant 128 : i32
      %mul3A_227 = arith.muli %sub3A_225, %mul3A_226 : i32
      %add3A_228 = arith.addi %mul3A_2, %mul3A_227 : i32
      %dma_wait3A_229 = arith.constant 0 : i32
      %dma_wait3A_230 = tpu.memref_slice %arg6[%add3A_228, %dma_wait3A_229] : memref<204800x128xf32, #tpu.memory_space<hbm>> -> memref<128x128xf32, #tpu.memory_space<hbm>>
      %dma_wait3A_231 = arith.constant 0 : i32
      %dma_wait3A_232 = tpu.memref_slice %arg6[%add3A_228, %dma_wait3A_231] : memref<204800x128xf32, #tpu.memory_space<hbm>> -> memref<128x128xf32, #tpu.memory_space<hbm>>
      tpu.wait_dma2 semaphore(%arg19 : memref<!tpu.dma_semaphore, #tpu.memory_space<semaphore_mem>>) src(%arg13 : memref<128x128xf32, #tpu.memory_space<vmem>>) dst(%dma_wait3A_232 : memref<128x128xf32, #tpu.memory_space<hbm>>)
      %scan3A_233 = arith.constant 0 : i32
      %scan3A_234 = arith.constant 0 : i32
      %scan3A_235 = arith.constant 128 : i32
      %scan3A_236 = arith.addi %scan3A_234, %scan3A_235 : i32
      %scan3A_237 = arith.constant 1 : i32
      scf.for %scan3A_318 = %scan3A_234 to %scan3A_236 step %scan3A_237  : i32 {
        %get3A = arith.index_cast %scan3A_318 : i32 to index
        %get3A_319 = arith.constant 0 : index
        %get3A_320 = tpu.vector_load %arg9[%get3A, %get3A_319] {strides = array<i32>} : memref<128x128xf32, #tpu.memory_space<vmem>>, vector<1x16xf32>,
        %get3A_321 = vector.shape_cast %get3A_320 : vector<1x16xf32> to vector<16xf32>
        %get3A_322 = arith.index_cast %scan3A_318 : i32 to index
        %get3A_323 = arith.constant 0 : index
        %get3A_324 = tpu.vector_load %arg11[%get3A_322, %get3A_323] {strides = array<i32>} : memref<128x128xf32, #tpu.memory_space<vmem>>, vector<1x16xf32>,
        %get3A_325 = vector.shape_cast %get3A_324 : vector<1x16xf32> to vector<16xf32>
        %add3A_326 = arith.addf %get3A_321, %get3A_325 : vector<16xf32>
        %swap3A = arith.index_cast %scan3A_318 : i32 to index
        %swap3A_327 = arith.constant 0 : index
        %swap3A_328 = tpu.vector_load %arg13[%swap3A, %swap3A_327] {strides = array<i32>} : memref<128x128xf32, #tpu.memory_space<vmem>>, vector<1x16xf32>,
        %swap3A_329 = vector.shape_cast %swap3A_328 : vector<1x16xf32> to vector<16xf32>
        %swap3A_330 = vector.shape_cast %add3A_326 : vector<16xf32> to vector<1x16xf32>
        tpu.vector_store %arg13[%swap3A, %swap3A_327], %swap3A_330 {strides = array<i32>} : memref<128x128xf32, #tpu.memory_space<vmem>>, vector<1x16xf32>,
        %get3A_331 = arith.index_cast %scan3A_318 : i32 to index
        %get3A_332 = arith.constant 16 : index
        %get3A_333 = tpu.vector_load %arg9[%get3A_331, %get3A_332] {strides = array<i32>} : memref<128x128xf32, #tpu.memory_space<vmem>>, vector<1x16xf32>,
        %get3A_334 = vector.shape_cast %get3A_333 : vector<1x16xf32> to vector<16xf32>
        %get3A_335 = arith.index_cast %scan3A_318 : i32 to index
        %get3A_336 = arith.constant 16 : index
        %get3A_337 = tpu.vector_load %arg11[%get3A_335, %get3A_336] {strides = array<i32>} : memref<128x128xf32, #tpu.memory_space<vmem>>, vector<1x16xf32>,
        %get3A_338 = vector.shape_cast %get3A_337 : vector<1x16xf32> to vector<16xf32>
        %add3A_339 = arith.addf %get3A_334, %get3A_338 : vector<16xf32>
        %swap3A_340 = arith.index_cast %scan3A_318 : i32 to index
        %swap3A_341 = arith.constant 16 : index
        %swap3A_342 = tpu.vector_load %arg13[%swap3A_340, %swap3A_341] {strides = array<i32>} : memref<128x128xf32, #tpu.memory_space<vmem>>, vector<1x16xf32>,
        %swap3A_343 = vector.shape_cast %swap3A_342 : vector<1x16xf32> to vector<16xf32>
        %swap3A_344 = vector.shape_cast %add3A_339 : vector<16xf32> to vector<1x16xf32>
        tpu.vector_store %arg13[%swap3A_340, %swap3A_341], %swap3A_344 {strides = array<i32>} : memref<128x128xf32, #tpu.memory_space<vmem>>, vector<1x16xf32>,
        %get3A_345 = arith.index_cast %scan3A_318 : i32 to index
        %get3A_346 = arith.constant 32 : index
        %get3A_347 = tpu.vector_load %arg9[%get3A_345, %get3A_346] {strides = array<i32>} : memref<128x128xf32, #tpu.memory_space<vmem>>, vector<1x16xf32>,
        %get3A_348 = vector.shape_cast %get3A_347 : vector<1x16xf32> to vector<16xf32>
        %get3A_349 = arith.index_cast %scan3A_318 : i32 to index
        %get3A_350 = arith.constant 32 : index
        %get3A_351 = tpu.vector_load %arg11[%get3A_349, %get3A_350] {strides = array<i32>} : memref<128x128xf32, #tpu.memory_space<vmem>>, vector<1x16xf32>,
        %get3A_352 = vector.shape_cast %get3A_351 : vector<1x16xf32> to vector<16xf32>
        %add3A_353 = arith.addf %get3A_348, %get3A_352 : vector<16xf32>
        %swap3A_354 = arith.index_cast %scan3A_318 : i32 to index
        %swap3A_355 = arith.constant 32 : index
        %swap3A_356 = tpu.vector_load %arg13[%swap3A_354, %swap3A_355] {strides = array<i32>} : memref<128x128xf32, #tpu.memory_space<vmem>>, vector<1x16xf32>,
        %swap3A_357 = vector.shape_cast %swap3A_356 : vector<1x16xf32> to vector<16xf32>
        %swap3A_358 = vector.shape_cast %add3A_353 : vector<16xf32> to vector<1x16xf32>
        tpu.vector_store %arg13[%swap3A_354, %swap3A_355], %swap3A_358 {strides = array<i32>} : memref<128x128xf32, #tpu.memory_space<vmem>>, vector<1x16xf32>,
        %get3A_359 = arith.index_cast %scan3A_318 : i32 to index
        %get3A_360 = arith.constant 48 : index
        %get3A_361 = tpu.vector_load %arg9[%get3A_359, %get3A_360] {strides = array<i32>} : memref<128x128xf32, #tpu.memory_space<vmem>>, vector<1x16xf32>,
        %get3A_362 = vector.shape_cast %get3A_361 : vector<1x16xf32> to vector<16xf32>
        %get3A_363 = arith.index_cast %scan3A_318 : i32 to index
        %get3A_364 = arith.constant 48 : index
        %get3A_365 = tpu.vector_load %arg11[%get3A_363, %get3A_364] {strides = array<i32>} : memref<128x128xf32, #tpu.memory_space<vmem>>, vector<1x16xf32>,
        %get3A_366 = vector.shape_cast %get3A_365 : vector<1x16xf32> to vector<16xf32>
        %add3A_367 = arith.addf %get3A_362, %get3A_366 : vector<16xf32>
        %swap3A_368 = arith.index_cast %scan3A_318 : i32 to index
        %swap3A_369 = arith.constant 48 : index
        %swap3A_370 = tpu.vector_load %arg13[%swap3A_368, %swap3A_369] {strides = array<i32>} : memref<128x128xf32, #tpu.memory_space<vmem>>, vector<1x16xf32>,
        %swap3A_371 = vector.shape_cast %swap3A_370 : vector<1x16xf32> to vector<16xf32>
        %swap3A_372 = vector.shape_cast %add3A_367 : vector<16xf32> to vector<1x16xf32>
        tpu.vector_store %arg13[%swap3A_368, %swap3A_369], %swap3A_372 {strides = array<i32>} : memref<128x128xf32, #tpu.memory_space<vmem>>, vector<1x16xf32>,
        %get3A_373 = arith.index_cast %scan3A_318 : i32 to index
        %get3A_374 = arith.constant 64 : index
        %get3A_375 = tpu.vector_load %arg9[%get3A_373, %get3A_374] {strides = array<i32>} : memref<128x128xf32, #tpu.memory_space<vmem>>, vector<1x16xf32>,
        %get3A_376 = vector.shape_cast %get3A_375 : vector<1x16xf32> to vector<16xf32>
        %get3A_377 = arith.index_cast %scan3A_318 : i32 to index
        %get3A_378 = arith.constant 64 : index
        %get3A_379 = tpu.vector_load %arg11[%get3A_377, %get3A_378] {strides = array<i32>} : memref<128x128xf32, #tpu.memory_space<vmem>>, vector<1x16xf32>,
        %get3A_380 = vector.shape_cast %get3A_379 : vector<1x16xf32> to vector<16xf32>
        %add3A_381 = arith.addf %get3A_376, %get3A_380 : vector<16xf32>
        %swap3A_382 = arith.index_cast %scan3A_318 : i32 to index
        %swap3A_383 = arith.constant 64 : index
        %swap3A_384 = tpu.vector_load %arg13[%swap3A_382, %swap3A_383] {strides = array<i32>} : memref<128x128xf32, #tpu.memory_space<vmem>>, vector<1x16xf32>,
        %swap3A_385 = vector.shape_cast %swap3A_384 : vector<1x16xf32> to vector<16xf32>
        %swap3A_386 = vector.shape_cast %add3A_381 : vector<16xf32> to vector<1x16xf32>
        tpu.vector_store %arg13[%swap3A_382, %swap3A_383], %swap3A_386 {strides = array<i32>} : memref<128x128xf32, #tpu.memory_space<vmem>>, vector<1x16xf32>,
        %get3A_387 = arith.index_cast %scan3A_318 : i32 to index
        %get3A_388 = arith.constant 80 : index
        %get3A_389 = tpu.vector_load %arg9[%get3A_387, %get3A_388] {strides = array<i32>} : memref<128x128xf32, #tpu.memory_space<vmem>>, vector<1x16xf32>,
        %get3A_390 = vector.shape_cast %get3A_389 : vector<1x16xf32> to vector<16xf32>
        %get3A_391 = arith.index_cast %scan3A_318 : i32 to index
        %get3A_392 = arith.constant 80 : index
        %get3A_393 = tpu.vector_load %arg11[%get3A_391, %get3A_392] {strides = array<i32>} : memref<128x128xf32, #tpu.memory_space<vmem>>, vector<1x16xf32>,
        %get3A_394 = vector.shape_cast %get3A_393 : vector<1x16xf32> to vector<16xf32>
        %add3A_395 = arith.addf %get3A_390, %get3A_394 : vector<16xf32>
        %swap3A_396 = arith.index_cast %scan3A_318 : i32 to index
        %swap3A_397 = arith.constant 80 : index
        %swap3A_398 = tpu.vector_load %arg13[%swap3A_396, %swap3A_397] {strides = array<i32>} : memref<128x128xf32, #tpu.memory_space<vmem>>, vector<1x16xf32>,
        %swap3A_399 = vector.shape_cast %swap3A_398 : vector<1x16xf32> to vector<16xf32>
        %swap3A_400 = vector.shape_cast %add3A_395 : vector<16xf32> to vector<1x16xf32>
        tpu.vector_store %arg13[%swap3A_396, %swap3A_397], %swap3A_400 {strides = array<i32>} : memref<128x128xf32, #tpu.memory_space<vmem>>, vector<1x16xf32>,
        %get3A_401 = arith.index_cast %scan3A_318 : i32 to index
        %get3A_402 = arith.constant 96 : index
        %get3A_403 = tpu.vector_load %arg9[%get3A_401, %get3A_402] {strides = array<i32>} : memref<128x128xf32, #tpu.memory_space<vmem>>, vector<1x16xf32>,
        %get3A_404 = vector.shape_cast %get3A_403 : vector<1x16xf32> to vector<16xf32>
        %get3A_405 = arith.index_cast %scan3A_318 : i32 to index
        %get3A_406 = arith.constant 96 : index
        %get3A_407 = tpu.vector_load %arg11[%get3A_405, %get3A_406] {strides = array<i32>} : memref<128x128xf32, #tpu.memory_space<vmem>>, vector<1x16xf32>,
        %get3A_408 = vector.shape_cast %get3A_407 : vector<1x16xf32> to vector<16xf32>
        %add3A_409 = arith.addf %get3A_404, %get3A_408 : vector<16xf32>
        %swap3A_410 = arith.index_cast %scan3A_318 : i32 to index
        %swap3A_411 = arith.constant 96 : index
        %swap3A_412 = tpu.vector_load %arg13[%swap3A_410, %swap3A_411] {strides = array<i32>} : memref<128x128xf32, #tpu.memory_space<vmem>>, vector<1x16xf32>,
        %swap3A_413 = vector.shape_cast %swap3A_412 : vector<1x16xf32> to vector<16xf32>
        %swap3A_414 = vector.shape_cast %add3A_409 : vector<16xf32> to vector<1x16xf32>
        tpu.vector_store %arg13[%swap3A_410, %swap3A_411], %swap3A_414 {strides = array<i32>} : memref<128x128xf32, #tpu.memory_space<vmem>>, vector<1x16xf32>,
        %get3A_415 = arith.index_cast %scan3A_318 : i32 to index
        %get3A_416 = arith.constant 112 : index
        %get3A_417 = tpu.vector_load %arg9[%get3A_415, %get3A_416] {strides = array<i32>} : memref<128x128xf32, #tpu.memory_space<vmem>>, vector<1x16xf32>,
        %get3A_418 = vector.shape_cast %get3A_417 : vector<1x16xf32> to vector<16xf32>
        %get3A_419 = arith.index_cast %scan3A_318 : i32 to index
        %get3A_420 = arith.constant 112 : index
        %get3A_421 = tpu.vector_load %arg11[%get3A_419, %get3A_420] {strides = array<i32>} : memref<128x128xf32, #tpu.memory_space<vmem>>, vector<1x16xf32>,
        %get3A_422 = vector.shape_cast %get3A_421 : vector<1x16xf32> to vector<16xf32>
        %add3A_423 = arith.addf %get3A_418, %get3A_422 : vector<16xf32>
        %swap3A_424 = arith.index_cast %scan3A_318 : i32 to index
        %swap3A_425 = arith.constant 112 : index
        %swap3A_426 = tpu.vector_load %arg13[%swap3A_424, %swap3A_425] {strides = array<i32>} : memref<128x128xf32, #tpu.memory_space<vmem>>, vector<1x16xf32>,
        %swap3A_427 = vector.shape_cast %swap3A_426 : vector<1x16xf32> to vector<16xf32>
        %swap3A_428 = vector.shape_cast %add3A_423 : vector<16xf32> to vector<1x16xf32>
        tpu.vector_store %arg13[%swap3A_424, %swap3A_425], %swap3A_428 {strides = array<i32>} : memref<128x128xf32, #tpu.memory_space<vmem>>, vector<1x16xf32>,
      }
      %scan3A_238 = arith.constant 128 : i32
      %mul3A_239 = arith.constant 128 : i32
      %mul3A_240 = arith.muli %add3A_210, %mul3A_239 : i32
      %add3A_241 = arith.addi %mul3A_2, %mul3A_240 : i32
      %dma_start3A_242 = arith.constant 0 : i32
      %dma_start3A_243 = tpu.memref_slice %arg6[%add3A_241, %dma_start3A_242] : memref<204800x128xf32, #tpu.memory_space<hbm>> -> memref<128x128xf32, #tpu.memory_space<hbm>>
      %dma_start3A_244 = arith.constant 0 : i32
      %dma_start3A_245 = tpu.memref_slice %arg6[%add3A_241, %dma_start3A_244] : memref<204800x128xf32, #tpu.memory_space<hbm>> -> memref<128x128xf32, #tpu.memory_space<hbm>>
      tpu.enqueue_dma source(%arg13 : memref<128x128xf32, #tpu.memory_space<vmem>>) target(%dma_start3A_245 : memref<128x128xf32, #tpu.memory_space<hbm>>) target_semaphore(%arg19 : memref<!tpu.dma_semaphore, #tpu.memory_space<semaphore_mem>>)
      %add3A_246 = arith.constant 2 : i32
      %add3A_247 = arith.addi %add3A_210, %add3A_246 : i32
      %dma_start3A_248 = arith.constant 0 : i32
      %dma_start3A_249 = arith.constant 0 : i32
      %dma_start3A_250 = tpu.memref_slice %arg7[%dma_start3A_248, %add3A_247, %dma_start3A_249] : memref<1x50x128xi32, #tpu.memory_space<vmem>> -> memref<1x1x128xi32, #tpu.memory_space<vmem>>
      %dma_start3A_251 = tpu.memref_squeeze %dma_start3A_250 : memref<1x1x128xi32, #tpu.memory_space<vmem>> -> memref<128xi32, #tpu.memory_space<vmem>>
      %dma_start3A_252 = arith.constant 0 : i32
      %dma_start3A_253 = arith.constant 0 : i32
      %dma_start3A_254 = tpu.memref_slice %arg2[%dma_start3A_252, %dma_start3A_253] : memref<100000x128xf32, #tpu.memory_space<hbm>> -> memref<100000x128xf32, #tpu.memory_space<hbm>>
      tpu.enqueue_indirect_dma source(%dma_start3A_254 : memref<100000x128xf32, #tpu.memory_space<hbm>>) target(%arg9 : memref<128x128xf32, #tpu.memory_space<vmem>>) offsets(%dma_start3A_251 : memref<128xi32, #tpu.memory_space<vmem>>) semaphore(%arg15 : memref<!tpu.dma_semaphore, #tpu.memory_space<semaphore_mem>>)
      %dma_start3A_255 = arith.constant 0 : i32
      %dma_start3A_256 = arith.constant 0 : i32
      %dma_start3A_257 = tpu.memref_slice %arg8[%dma_start3A_255, %add3A_247, %dma_start3A_256] : memref<1x50x128xi32, #tpu.memory_space<vmem>> -> memref<1x1x128xi32, #tpu.memory_space<vmem>>
      %dma_start3A_258 = tpu.memref_squeeze %dma_start3A_257 : memref<1x1x128xi32, #tpu.memory_space<vmem>> -> memref<128xi32, #tpu.memory_space<vmem>>
      %dma_start3A_259 = arith.constant 0 : i32
      %dma_start3A_260 = arith.constant 0 : i32
      %dma_start3A_261 = tpu.memref_slice %arg3[%dma_start3A_259, %dma_start3A_260] : memref<10000x128xf32, #tpu.memory_space<hbm>> -> memref<10000x128xf32, #tpu.memory_space<hbm>>
      tpu.enqueue_indirect_dma source(%dma_start3A_261 : memref<10000x128xf32, #tpu.memory_space<hbm>>) target(%arg11 : memref<128x128xf32, #tpu.memory_space<vmem>>) offsets(%dma_start3A_258 : memref<128xi32, #tpu.memory_space<vmem>>) semaphore(%arg17 : memref<!tpu.dma_semaphore, #tpu.memory_space<semaphore_mem>>)
      %mul3A_262 = arith.constant 2 : i32
      %mul3A_263 = arith.muli %mul3A_262, %scan3A_206 : i32
      %add3A_264 = arith.constant 1 : i32
      %add3A_265 = arith.addi %mul3A_263, %add3A_264 : i32
      %dma_wait3A_266 = arith.constant 0 : i32
      %dma_wait3A_267 = arith.constant 0 : i32
      %dma_wait3A_268 = tpu.memref_slice %arg7[%dma_wait3A_266, %add3A_265, %dma_wait3A_267] : memref<1x50x128xi32, #tpu.memory_space<vmem>> -> memref<1x1x128xi32, #tpu.memory_space<vmem>>
      %dma_wait3A_269 = tpu.memref_squeeze %dma_wait3A_268 : memref<1x1x128xi32, #tpu.memory_space<vmem>> -> memref<128xi32, #tpu.memory_space<vmem>>
      %dma_wait3A_270 = arith.constant 0 : i32
      %dma_wait3A_271 = arith.constant 0 : i32
      %dma_wait3A_272 = tpu.memref_slice %arg2[%dma_wait3A_270, %dma_wait3A_271] : memref<100000x128xf32, #tpu.memory_space<hbm>> -> memref<100000x128xf32, #tpu.memory_space<hbm>>
      tpu.wait_indirect_dma semaphore(%arg16 : memref<!tpu.dma_semaphore, #tpu.memory_space<semaphore_mem>>) src(%dma_wait3A_272 : memref<100000x128xf32, #tpu.memory_space<hbm>>) dst(%arg10 : memref<128x128xf32, #tpu.memory_space<vmem>>)
      %dma_wait3A_273 = arith.constant 0 : i32
      %dma_wait3A_274 = arith.constant 0 : i32
      %dma_wait3A_275 = tpu.memref_slice %arg8[%dma_wait3A_273, %add3A_265, %dma_wait3A_274] : memref<1x50x128xi32, #tpu.memory_space<vmem>> -> memref<1x1x128xi32, #tpu.memory_space<vmem>>
      %dma_wait3A_276 = tpu.memref_squeeze %dma_wait3A_275 : memref<1x1x128xi32, #tpu.memory_space<vmem>> -> memref<128xi32, #tpu.memory_space<vmem>>
      %dma_wait3A_277 = arith.constant 0 : i32
      %dma_wait3A_278 = arith.constant 0 : i32
      %dma_wait3A_279 = tpu.memref_slice %arg3[%dma_wait3A_277, %dma_wait3A_278] : memref<10000x128xf32, #tpu.memory_space<hbm>> -> memref<10000x128xf32, #tpu.memory_space<hbm>>
      tpu.wait_indirect_dma semaphore(%arg18 : memref<!tpu.dma_semaphore, #tpu.memory_space<semaphore_mem>>) src(%dma_wait3A_279 : memref<10000x128xf32, #tpu.memory_space<hbm>>) dst(%arg12 : memref<128x128xf32, #tpu.memory_space<vmem>>)
      %sub3A_280 = arith.constant 2 : i32
      %sub3A_281 = arith.subi %add3A_265, %sub3A_280 : i32
      %mul3A_282 = arith.constant 128 : i32
      %mul3A_283 = arith.muli %sub3A_281, %mul3A_282 : i32
      %add3A_284 = arith.addi %mul3A_2, %mul3A_283 : i32
      %dma_wait3A_285 = arith.constant 0 : i32
      %dma_wait3A_286 = tpu.memref_slice %arg6[%add3A_284, %dma_wait3A_285] : memref<204800x128xf32, #tpu.memory_space<hbm>> -> memref<128x128xf32, #tpu.memory_space<hbm>>
      %dma_wait3A_287 = arith.constant 0 : i32
      %dma_wait3A_288 = tpu.memref_slice %arg6[%add3A_284, %dma_wait3A_287] : memref<204800x128xf32, #tpu.memory_space<hbm>> -> memref<128x128xf32, #tpu.memory_space<hbm>>
      tpu.wait_dma2 semaphore(%arg20 : memref<!tpu.dma_semaphore, #tpu.memory_space<semaphore_mem>>) src(%arg14 : memref<128x128xf32, #tpu.memory_space<vmem>>) dst(%dma_wait3A_288 : memref<128x128xf32, #tpu.memory_space<hbm>>)
      %scan3A_289 = arith.constant 0 : i32
      %scan3A_290 = arith.constant 0 : i32
      %scan3A_291 = arith.constant 128 : i32
      %scan3A_292 = arith.addi %scan3A_290, %scan3A_291 : i32
      %scan3A_293 = arith.constant 1 : i32
      scf.for %scan3A_318 = %scan3A_290 to %scan3A_292 step %scan3A_293  : i32 {
        %get3A = arith.index_cast %scan3A_318 : i32 to index
        %get3A_319 = arith.constant 0 : index
        %get3A_320 = tpu.vector_load %arg10[%get3A, %get3A_319] {strides = array<i32>} : memref<128x128xf32, #tpu.memory_space<vmem>>, vector<1x16xf32>,
        %get3A_321 = vector.shape_cast %get3A_320 : vector<1x16xf32> to vector<16xf32>
        %get3A_322 = arith.index_cast %scan3A_318 : i32 to index
        %get3A_323 = arith.constant 0 : index
        %get3A_324 = tpu.vector_load %arg12[%get3A_322, %get3A_323] {strides = array<i32>} : memref<128x128xf32, #tpu.memory_space<vmem>>, vector<1x16xf32>,
        %get3A_325 = vector.shape_cast %get3A_324 : vector<1x16xf32> to vector<16xf32>
        %add3A_326 = arith.addf %get3A_321, %get3A_325 : vector<16xf32>
        %swap3A = arith.index_cast %scan3A_318 : i32 to index
        %swap3A_327 = arith.constant 0 : index
        %swap3A_328 = tpu.vector_load %arg14[%swap3A, %swap3A_327] {strides = array<i32>} : memref<128x128xf32, #tpu.memory_space<vmem>>, vector<1x16xf32>,
        %swap3A_329 = vector.shape_cast %swap3A_328 : vector<1x16xf32> to vector<16xf32>
        %swap3A_330 = vector.shape_cast %add3A_326 : vector<16xf32> to vector<1x16xf32>
        tpu.vector_store %arg14[%swap3A, %swap3A_327], %swap3A_330 {strides = array<i32>} : memref<128x128xf32, #tpu.memory_space<vmem>>, vector<1x16xf32>,
        %get3A_331 = arith.index_cast %scan3A_318 : i32 to index
        %get3A_332 = arith.constant 16 : index
        %get3A_333 = tpu.vector_load %arg10[%get3A_331, %get3A_332] {strides = array<i32>} : memref<128x128xf32, #tpu.memory_space<vmem>>, vector<1x16xf32>,
        %get3A_334 = vector.shape_cast %get3A_333 : vector<1x16xf32> to vector<16xf32>
        %get3A_335 = arith.index_cast %scan3A_318 : i32 to index
        %get3A_336 = arith.constant 16 : index
        %get3A_337 = tpu.vector_load %arg12[%get3A_335, %get3A_336] {strides = array<i32>} : memref<128x128xf32, #tpu.memory_space<vmem>>, vector<1x16xf32>,
        %get3A_338 = vector.shape_cast %get3A_337 : vector<1x16xf32> to vector<16xf32>
        %add3A_339 = arith.addf %get3A_334, %get3A_338 : vector<16xf32>
        %swap3A_340 = arith.index_cast %scan3A_318 : i32 to index
        %swap3A_341 = arith.constant 16 : index
        %swap3A_342 = tpu.vector_load %arg14[%swap3A_340, %swap3A_341] {strides = array<i32>} : memref<128x128xf32, #tpu.memory_space<vmem>>, vector<1x16xf32>,
        %swap3A_343 = vector.shape_cast %swap3A_342 : vector<1x16xf32> to vector<16xf32>
        %swap3A_344 = vector.shape_cast %add3A_339 : vector<16xf32> to vector<1x16xf32>
        tpu.vector_store %arg14[%swap3A_340, %swap3A_341], %swap3A_344 {strides = array<i32>} : memref<128x128xf32, #tpu.memory_space<vmem>>, vector<1x16xf32>,
        %get3A_345 = arith.index_cast %scan3A_318 : i32 to index
        %get3A_346 = arith.constant 32 : index
        %get3A_347 = tpu.vector_load %arg10[%get3A_345, %get3A_346] {strides = array<i32>} : memref<128x128xf32, #tpu.memory_space<vmem>>, vector<1x16xf32>,
        %get3A_348 = vector.shape_cast %get3A_347 : vector<1x16xf32> to vector<16xf32>
        %get3A_349 = arith.index_cast %scan3A_318 : i32 to index
        %get3A_350 = arith.constant 32 : index
        %get3A_351 = tpu.vector_load %arg12[%get3A_349, %get3A_350] {strides = array<i32>} : memref<128x128xf32, #tpu.memory_space<vmem>>, vector<1x16xf32>,
        %get3A_352 = vector.shape_cast %get3A_351 : vector<1x16xf32> to vector<16xf32>
        %add3A_353 = arith.addf %get3A_348, %get3A_352 : vector<16xf32>
        %swap3A_354 = arith.index_cast %scan3A_318 : i32 to index
        %swap3A_355 = arith.constant 32 : index
        %swap3A_356 = tpu.vector_load %arg14[%swap3A_354, %swap3A_355] {strides = array<i32>} : memref<128x128xf32, #tpu.memory_space<vmem>>, vector<1x16xf32>,
        %swap3A_357 = vector.shape_cast %swap3A_356 : vector<1x16xf32> to vector<16xf32>
        %swap3A_358 = vector.shape_cast %add3A_353 : vector<16xf32> to vector<1x16xf32>
        tpu.vector_store %arg14[%swap3A_354, %swap3A_355], %swap3A_358 {strides = array<i32>} : memref<128x128xf32, #tpu.memory_space<vmem>>, vector<1x16xf32>,
        %get3A_359 = arith.index_cast %scan3A_318 : i32 to index
        %get3A_360 = arith.constant 48 : index
        %get3A_361 = tpu.vector_load %arg10[%get3A_359, %get3A_360] {strides = array<i32>} : memref<128x128xf32, #tpu.memory_space<vmem>>, vector<1x16xf32>,
        %get3A_362 = vector.shape_cast %get3A_361 : vector<1x16xf32> to vector<16xf32>
        %get3A_363 = arith.index_cast %scan3A_318 : i32 to index
        %get3A_364 = arith.constant 48 : index
        %get3A_365 = tpu.vector_load %arg12[%get3A_363, %get3A_364] {strides = array<i32>} : memref<128x128xf32, #tpu.memory_space<vmem>>, vector<1x16xf32>,
        %get3A_366 = vector.shape_cast %get3A_365 : vector<1x16xf32> to vector<16xf32>
        %add3A_367 = arith.addf %get3A_362, %get3A_366 : vector<16xf32>
        %swap3A_368 = arith.index_cast %scan3A_318 : i32 to index
        %swap3A_369 = arith.constant 48 : index
        %swap3A_370 = tpu.vector_load %arg14[%swap3A_368, %swap3A_369] {strides = array<i32>} : memref<128x128xf32, #tpu.memory_space<vmem>>, vector<1x16xf32>,
        %swap3A_371 = vector.shape_cast %swap3A_370 : vector<1x16xf32> to vector<16xf32>
        %swap3A_372 = vector.shape_cast %add3A_367 : vector<16xf32> to vector<1x16xf32>
        tpu.vector_store %arg14[%swap3A_368, %swap3A_369], %swap3A_372 {strides = array<i32>} : memref<128x128xf32, #tpu.memory_space<vmem>>, vector<1x16xf32>,
        %get3A_373 = arith.index_cast %scan3A_318 : i32 to index
        %get3A_374 = arith.constant 64 : index
        %get3A_375 = tpu.vector_load %arg10[%get3A_373, %get3A_374] {strides = array<i32>} : memref<128x128xf32, #tpu.memory_space<vmem>>, vector<1x16xf32>,
        %get3A_376 = vector.shape_cast %get3A_375 : vector<1x16xf32> to vector<16xf32>
        %get3A_377 = arith.index_cast %scan3A_318 : i32 to index
        %get3A_378 = arith.constant 64 : index
        %get3A_379 = tpu.vector_load %arg12[%get3A_377, %get3A_378] {strides = array<i32>} : memref<128x128xf32, #tpu.memory_space<vmem>>, vector<1x16xf32>,
        %get3A_380 = vector.shape_cast %get3A_379 : vector<1x16xf32> to vector<16xf32>
        %add3A_381 = arith.addf %get3A_376, %get3A_380 : vector<16xf32>
        %swap3A_382 = arith.index_cast %scan3A_318 : i32 to index
        %swap3A_383 = arith.constant 64 : index
        %swap3A_384 = tpu.vector_load %arg14[%swap3A_382, %swap3A_383] {strides = array<i32>} : memref<128x128xf32, #tpu.memory_space<vmem>>, vector<1x16xf32>,
        %swap3A_385 = vector.shape_cast %swap3A_384 : vector<1x16xf32> to vector<16xf32>
        %swap3A_386 = vector.shape_cast %add3A_381 : vector<16xf32> to vector<1x16xf32>
        tpu.vector_store %arg14[%swap3A_382, %swap3A_383], %swap3A_386 {strides = array<i32>} : memref<128x128xf32, #tpu.memory_space<vmem>>, vector<1x16xf32>,
        %get3A_387 = arith.index_cast %scan3A_318 : i32 to index
        %get3A_388 = arith.constant 80 : index
        %get3A_389 = tpu.vector_load %arg10[%get3A_387, %get3A_388] {strides = array<i32>} : memref<128x128xf32, #tpu.memory_space<vmem>>, vector<1x16xf32>,
        %get3A_390 = vector.shape_cast %get3A_389 : vector<1x16xf32> to vector<16xf32>
        %get3A_391 = arith.index_cast %scan3A_318 : i32 to index
        %get3A_392 = arith.constant 80 : index
        %get3A_393 = tpu.vector_load %arg12[%get3A_391, %get3A_392] {strides = array<i32>} : memref<128x128xf32, #tpu.memory_space<vmem>>, vector<1x16xf32>,
        %get3A_394 = vector.shape_cast %get3A_393 : vector<1x16xf32> to vector<16xf32>
        %add3A_395 = arith.addf %get3A_390, %get3A_394 : vector<16xf32>
        %swap3A_396 = arith.index_cast %scan3A_318 : i32 to index
        %swap3A_397 = arith.constant 80 : index
        %swap3A_398 = tpu.vector_load %arg14[%swap3A_396, %swap3A_397] {strides = array<i32>} : memref<128x128xf32, #tpu.memory_space<vmem>>, vector<1x16xf32>,
        %swap3A_399 = vector.shape_cast %swap3A_398 : vector<1x16xf32> to vector<16xf32>
        %swap3A_400 = vector.shape_cast %add3A_395 : vector<16xf32> to vector<1x16xf32>
        tpu.vector_store %arg14[%swap3A_396, %swap3A_397], %swap3A_400 {strides = array<i32>} : memref<128x128xf32, #tpu.memory_space<vmem>>, vector<1x16xf32>,
        %get3A_401 = arith.index_cast %scan3A_318 : i32 to index
        %get3A_402 = arith.constant 96 : index
        %get3A_403 = tpu.vector_load %arg10[%get3A_401, %get3A_402] {strides = array<i32>} : memref<128x128xf32, #tpu.memory_space<vmem>>, vector<1x16xf32>,
        %get3A_404 = vector.shape_cast %get3A_403 : vector<1x16xf32> to vector<16xf32>
        %get3A_405 = arith.index_cast %scan3A_318 : i32 to index
        %get3A_406 = arith.constant 96 : index
        %get3A_407 = tpu.vector_load %arg12[%get3A_405, %get3A_406] {strides = array<i32>} : memref<128x128xf32, #tpu.memory_space<vmem>>, vector<1x16xf32>,
        %get3A_408 = vector.shape_cast %get3A_407 : vector<1x16xf32> to vector<16xf32>
        %add3A_409 = arith.addf %get3A_404, %get3A_408 : vector<16xf32>
        %swap3A_410 = arith.index_cast %scan3A_318 : i32 to index
        %swap3A_411 = arith.constant 96 : index
        %swap3A_412 = tpu.vector_load %arg14[%swap3A_410, %swap3A_411] {strides = array<i32>} : memref<128x128xf32, #tpu.memory_space<vmem>>, vector<1x16xf32>,
        %swap3A_413 = vector.shape_cast %swap3A_412 : vector<1x16xf32> to vector<16xf32>
        %swap3A_414 = vector.shape_cast %add3A_409 : vector<16xf32> to vector<1x16xf32>
        tpu.vector_store %arg14[%swap3A_410, %swap3A_411], %swap3A_414 {strides = array<i32>} : memref<128x128xf32, #tpu.memory_space<vmem>>, vector<1x16xf32>,
        %get3A_415 = arith.index_cast %scan3A_318 : i32 to index
        %get3A_416 = arith.constant 112 : index
        %get3A_417 = tpu.vector_load %arg10[%get3A_415, %get3A_416] {strides = array<i32>} : memref<128x128xf32, #tpu.memory_space<vmem>>, vector<1x16xf32>,
        %get3A_418 = vector.shape_cast %get3A_417 : vector<1x16xf32> to vector<16xf32>
        %get3A_419 = arith.index_cast %scan3A_318 : i32 to index
        %get3A_420 = arith.constant 112 : index
        %get3A_421 = tpu.vector_load %arg12[%get3A_419, %get3A_420] {strides = array<i32>} : memref<128x128xf32, #tpu.memory_space<vmem>>, vector<1x16xf32>,
        %get3A_422 = vector.shape_cast %get3A_421 : vector<1x16xf32> to vector<16xf32>
        %add3A_423 = arith.addf %get3A_418, %get3A_422 : vector<16xf32>
        %swap3A_424 = arith.index_cast %scan3A_318 : i32 to index
        %swap3A_425 = arith.constant 112 : index
        %swap3A_426 = tpu.vector_load %arg14[%swap3A_424, %swap3A_425] {strides = array<i32>} : memref<128x128xf32, #tpu.memory_space<vmem>>, vector<1x16xf32>,
        %swap3A_427 = vector.shape_cast %swap3A_426 : vector<1x16xf32> to vector<16xf32>
        %swap3A_428 = vector.shape_cast %add3A_423 : vector<16xf32> to vector<1x16xf32>
        tpu.vector_store %arg14[%swap3A_424, %swap3A_425], %swap3A_428 {strides = array<i32>} : memref<128x128xf32, #tpu.memory_space<vmem>>, vector<1x16xf32>,
      }
      %scan3A_294 = arith.constant 128 : i32
      %mul3A_295 = arith.constant 128 : i32
      %mul3A_296 = arith.muli %add3A_265, %mul3A_295 : i32
      %add3A_297 = arith.addi %mul3A_2, %mul3A_296 : i32
      %dma_start3A_298 = arith.constant 0 : i32
      %dma_start3A_299 = tpu.memref_slice %arg6[%add3A_297, %dma_start3A_298] : memref<204800x128xf32, #tpu.memory_space<hbm>> -> memref<128x128xf32, #tpu.memory_space<hbm>>
      %dma_start3A_300 = arith.constant 0 : i32
      %dma_start3A_301 = tpu.memref_slice %arg6[%add3A_297, %dma_start3A_300] : memref<204800x128xf32, #tpu.memory_space<hbm>> -> memref<128x128xf32, #tpu.memory_space<hbm>>
      tpu.enqueue_dma source(%arg14 : memref<128x128xf32, #tpu.memory_space<vmem>>) target(%dma_start3A_301 : memref<128x128xf32, #tpu.memory_space<hbm>>) target_semaphore(%arg20 : memref<!tpu.dma_semaphore, #tpu.memory_space<semaphore_mem>>)
      %add3A_302 = arith.constant 2 : i32
      %add3A_303 = arith.addi %add3A_265, %add3A_302 : i32
      %dma_start3A_304 = arith.constant 0 : i32
      %dma_start3A_305 = arith.constant 0 : i32
      %dma_start3A_306 = tpu.memref_slice %arg7[%dma_start3A_304, %add3A_303, %dma_start3A_305] : memref<1x50x128xi32, #tpu.memory_space<vmem>> -> memref<1x1x128xi32, #tpu.memory_space<vmem>>
      %dma_start3A_307 = tpu.memref_squeeze %dma_start3A_306 : memref<1x1x128xi32, #tpu.memory_space<vmem>> -> memref<128xi32, #tpu.memory_space<vmem>>
      %dma_start3A_308 = arith.constant 0 : i32
      %dma_start3A_309 = arith.constant 0 : i32
      %dma_start3A_310 = tpu.memref_slice %arg2[%dma_start3A_308, %dma_start3A_309] : memref<100000x128xf32, #tpu.memory_space<hbm>> -> memref<100000x128xf32, #tpu.memory_space<hbm>>
      tpu.enqueue_indirect_dma source(%dma_start3A_310 : memref<100000x128xf32, #tpu.memory_space<hbm>>) target(%arg10 : memref<128x128xf32, #tpu.memory_space<vmem>>) offsets(%dma_start3A_307 : memref<128xi32, #tpu.memory_space<vmem>>) semaphore(%arg16 : memref<!tpu.dma_semaphore, #tpu.memory_space<semaphore_mem>>)
      %dma_start3A_311 = arith.constant 0 : i32
      %dma_start3A_312 = arith.constant 0 : i32
      %dma_start3A_313 = tpu.memref_slice %arg8[%dma_start3A_311, %add3A_303, %dma_start3A_312] : memref<1x50x128xi32, #tpu.memory_space<vmem>> -> memref<1x1x128xi32, #tpu.memory_space<vmem>>
      %dma_start3A_314 = tpu.memref_squeeze %dma_start3A_313 : memref<1x1x128xi32, #tpu.memory_space<vmem>> -> memref<128xi32, #tpu.memory_space<vmem>>
      %dma_start3A_315 = arith.constant 0 : i32
      %dma_start3A_316 = arith.constant 0 : i32
      %dma_start3A_317 = tpu.memref_slice %arg3[%dma_start3A_315, %dma_start3A_316] : memref<10000x128xf32, #tpu.memory_space<hbm>> -> memref<10000x128xf32, #tpu.memory_space<hbm>>
      tpu.enqueue_indirect_dma source(%dma_start3A_317 : memref<10000x128xf32, #tpu.memory_space<hbm>>) target(%arg12 : memref<128x128xf32, #tpu.memory_space<vmem>>) offsets(%dma_start3A_314 : memref<128xi32, #tpu.memory_space<vmem>>) semaphore(%arg18 : memref<!tpu.dma_semaphore, #tpu.memory_space<semaphore_mem>>)
    }
    %scan3A_125 = arith.constant 23 : i32
    %dma_wait3A_126 = arith.constant 0 : i32
    %dma_wait3A_127 = arith.constant 48 : i32
    %dma_wait3A_128 = arith.constant 0 : i32
    %dma_wait3A_129 = tpu.memref_slice %arg7[%dma_wait3A_126, %dma_wait3A_127, %dma_wait3A_128] : memref<1x50x128xi32, #tpu.memory_space<vmem>> -> memref<1x1x128xi32, #tpu.memory_space<vmem>>
    %dma_wait3A_130 = tpu.memref_squeeze %dma_wait3A_129 : memref<1x1x128xi32, #tpu.memory_space<vmem>> -> memref<128xi32, #tpu.memory_space<vmem>>
    %dma_wait3A_131 = arith.constant 0 : i32
    %dma_wait3A_132 = arith.constant 0 : i32
    %dma_wait3A_133 = tpu.memref_slice %arg2[%dma_wait3A_131, %dma_wait3A_132] : memref<100000x128xf32, #tpu.memory_space<hbm>> -> memref<100000x128xf32, #tpu.memory_space<hbm>>
    tpu.wait_indirect_dma semaphore(%arg15 : memref<!tpu.dma_semaphore, #tpu.memory_space<semaphore_mem>>) src(%dma_wait3A_133 : memref<100000x128xf32, #tpu.memory_space<hbm>>) dst(%arg9 : memref<128x128xf32, #tpu.memory_space<vmem>>)
    %dma_wait3A_134 = arith.constant 0 : i32
    %dma_wait3A_135 = arith.constant 48 : i32
    %dma_wait3A_136 = arith.constant 0 : i32
    %dma_wait3A_137 = tpu.memref_slice %arg8[%dma_wait3A_134, %dma_wait3A_135, %dma_wait3A_136] : memref<1x50x128xi32, #tpu.memory_space<vmem>> -> memref<1x1x128xi32, #tpu.memory_space<vmem>>
    %dma_wait3A_138 = tpu.memref_squeeze %dma_wait3A_137 : memref<1x1x128xi32, #tpu.memory_space<vmem>> -> memref<128xi32, #tpu.memory_space<vmem>>
    %dma_wait3A_139 = arith.constant 0 : i32
    %dma_wait3A_140 = arith.constant 0 : i32
    %dma_wait3A_141 = tpu.memref_slice %arg3[%dma_wait3A_139, %dma_wait3A_140] : memref<10000x128xf32, #tpu.memory_space<hbm>> -> memref<10000x128xf32, #tpu.memory_space<hbm>>
    tpu.wait_indirect_dma semaphore(%arg17 : memref<!tpu.dma_semaphore, #tpu.memory_space<semaphore_mem>>) src(%dma_wait3A_141 : memref<10000x128xf32, #tpu.memory_space<hbm>>) dst(%arg11 : memref<128x128xf32, #tpu.memory_space<vmem>>)
    %add3A_142 = arith.constant 5888 : i32
    %add3A_143 = arith.addi %mul3A_2, %add3A_142 : i32
    %dma_wait3A_144 = arith.constant 0 : i32
    %dma_wait3A_145 = tpu.memref_slice %arg6[%add3A_143, %dma_wait3A_144] : memref<204800x128xf32, #tpu.memory_space<hbm>> -> memref<128x128xf32, #tpu.memory_space<hbm>>
    %dma_wait3A_146 = arith.constant 0 : i32
    %dma_wait3A_147 = tpu.memref_slice %arg6[%add3A_143, %dma_wait3A_146] : memref<204800x128xf32, #tpu.memory_space<hbm>> -> memref<128x128xf32, #tpu.memory_space<hbm>>
    tpu.wait_dma2 semaphore(%arg19 : memref<!tpu.dma_semaphore, #tpu.memory_space<semaphore_mem>>) src(%arg13 : memref<128x128xf32, #tpu.memory_space<vmem>>) dst(%dma_wait3A_147 : memref<128x128xf32, #tpu.memory_space<hbm>>)
    %scan3A_148 = arith.constant 0 : i32
    %scan3A_149 = arith.constant 0 : i32
    %scan3A_150 = arith.constant 128 : i32
    %scan3A_151 = arith.addi %scan3A_149, %scan3A_150 : i32
    %scan3A_152 = arith.constant 1 : i32
    scf.for %scan3A_206 = %scan3A_149 to %scan3A_151 step %scan3A_152  : i32 {
      %get3A = arith.index_cast %scan3A_206 : i32 to index
      %get3A_207 = arith.constant 0 : index
      %get3A_208 = tpu.vector_load %arg9[%get3A, %get3A_207] {strides = array<i32>} : memref<128x128xf32, #tpu.memory_space<vmem>>, vector<1x16xf32>,
      %get3A_209 = vector.shape_cast %get3A_208 : vector<1x16xf32> to vector<16xf32>
      %get3A_210 = arith.index_cast %scan3A_206 : i32 to index
      %get3A_211 = arith.constant 0 : index
      %get3A_212 = tpu.vector_load %arg11[%get3A_210, %get3A_211] {strides = array<i32>} : memref<128x128xf32, #tpu.memory_space<vmem>>, vector<1x16xf32>,
      %get3A_213 = vector.shape_cast %get3A_212 : vector<1x16xf32> to vector<16xf32>
      %add3A_214 = arith.addf %get3A_209, %get3A_213 : vector<16xf32>
      %swap3A = arith.index_cast %scan3A_206 : i32 to index
      %swap3A_215 = arith.constant 0 : index
      %swap3A_216 = tpu.vector_load %arg13[%swap3A, %swap3A_215] {strides = array<i32>} : memref<128x128xf32, #tpu.memory_space<vmem>>, vector<1x16xf32>,
      %swap3A_217 = vector.shape_cast %swap3A_216 : vector<1x16xf32> to vector<16xf32>
      %swap3A_218 = vector.shape_cast %add3A_214 : vector<16xf32> to vector<1x16xf32>
      tpu.vector_store %arg13[%swap3A, %swap3A_215], %swap3A_218 {strides = array<i32>} : memref<128x128xf32, #tpu.memory_space<vmem>>, vector<1x16xf32>,
      %get3A_219 = arith.index_cast %scan3A_206 : i32 to index
      %get3A_220 = arith.constant 16 : index
      %get3A_221 = tpu.vector_load %arg9[%get3A_219, %get3A_220] {strides = array<i32>} : memref<128x128xf32, #tpu.memory_space<vmem>>, vector<1x16xf32>,
      %get3A_222 = vector.shape_cast %get3A_221 : vector<1x16xf32> to vector<16xf32>
      %get3A_223 = arith.index_cast %scan3A_206 : i32 to index
      %get3A_224 = arith.constant 16 : index
      %get3A_225 = tpu.vector_load %arg11[%get3A_223, %get3A_224] {strides = array<i32>} : memref<128x128xf32, #tpu.memory_space<vmem>>, vector<1x16xf32>,
      %get3A_226 = vector.shape_cast %get3A_225 : vector<1x16xf32> to vector<16xf32>
      %add3A_227 = arith.addf %get3A_222, %get3A_226 : vector<16xf32>
      %swap3A_228 = arith.index_cast %scan3A_206 : i32 to index
      %swap3A_229 = arith.constant 16 : index
      %swap3A_230 = tpu.vector_load %arg13[%swap3A_228, %swap3A_229] {strides = array<i32>} : memref<128x128xf32, #tpu.memory_space<vmem>>, vector<1x16xf32>,
      %swap3A_231 = vector.shape_cast %swap3A_230 : vector<1x16xf32> to vector<16xf32>
      %swap3A_232 = vector.shape_cast %add3A_227 : vector<16xf32> to vector<1x16xf32>
      tpu.vector_store %arg13[%swap3A_228, %swap3A_229], %swap3A_232 {strides = array<i32>} : memref<128x128xf32, #tpu.memory_space<vmem>>, vector<1x16xf32>,
      %get3A_233 = arith.index_cast %scan3A_206 : i32 to index
      %get3A_234 = arith.constant 32 : index
      %get3A_235 = tpu.vector_load %arg9[%get3A_233, %get3A_234] {strides = array<i32>} : memref<128x128xf32, #tpu.memory_space<vmem>>, vector<1x16xf32>,
      %get3A_236 = vector.shape_cast %get3A_235 : vector<1x16xf32> to vector<16xf32>
      %get3A_237 = arith.index_cast %scan3A_206 : i32 to index
      %get3A_238 = arith.constant 32 : index
      %get3A_239 = tpu.vector_load %arg11[%get3A_237, %get3A_238] {strides = array<i32>} : memref<128x128xf32, #tpu.memory_space<vmem>>, vector<1x16xf32>,
      %get3A_240 = vector.shape_cast %get3A_239 : vector<1x16xf32> to vector<16xf32>
      %add3A_241 = arith.addf %get3A_236, %get3A_240 : vector<16xf32>
      %swap3A_242 = arith.index_cast %scan3A_206 : i32 to index
      %swap3A_243 = arith.constant 32 : index
      %swap3A_244 = tpu.vector_load %arg13[%swap3A_242, %swap3A_243] {strides = array<i32>} : memref<128x128xf32, #tpu.memory_space<vmem>>, vector<1x16xf32>,
      %swap3A_245 = vector.shape_cast %swap3A_244 : vector<1x16xf32> to vector<16xf32>
      %swap3A_246 = vector.shape_cast %add3A_241 : vector<16xf32> to vector<1x16xf32>
      tpu.vector_store %arg13[%swap3A_242, %swap3A_243], %swap3A_246 {strides = array<i32>} : memref<128x128xf32, #tpu.memory_space<vmem>>, vector<1x16xf32>,
      %get3A_247 = arith.index_cast %scan3A_206 : i32 to index
      %get3A_248 = arith.constant 48 : index
      %get3A_249 = tpu.vector_load %arg9[%get3A_247, %get3A_248] {strides = array<i32>} : memref<128x128xf32, #tpu.memory_space<vmem>>, vector<1x16xf32>,
      %get3A_250 = vector.shape_cast %get3A_249 : vector<1x16xf32> to vector<16xf32>
      %get3A_251 = arith.index_cast %scan3A_206 : i32 to index
      %get3A_252 = arith.constant 48 : index
      %get3A_253 = tpu.vector_load %arg11[%get3A_251, %get3A_252] {strides = array<i32>} : memref<128x128xf32, #tpu.memory_space<vmem>>, vector<1x16xf32>,
      %get3A_254 = vector.shape_cast %get3A_253 : vector<1x16xf32> to vector<16xf32>
      %add3A_255 = arith.addf %get3A_250, %get3A_254 : vector<16xf32>
      %swap3A_256 = arith.index_cast %scan3A_206 : i32 to index
      %swap3A_257 = arith.constant 48 : index
      %swap3A_258 = tpu.vector_load %arg13[%swap3A_256, %swap3A_257] {strides = array<i32>} : memref<128x128xf32, #tpu.memory_space<vmem>>, vector<1x16xf32>,
      %swap3A_259 = vector.shape_cast %swap3A_258 : vector<1x16xf32> to vector<16xf32>
      %swap3A_260 = vector.shape_cast %add3A_255 : vector<16xf32> to vector<1x16xf32>
      tpu.vector_store %arg13[%swap3A_256, %swap3A_257], %swap3A_260 {strides = array<i32>} : memref<128x128xf32, #tpu.memory_space<vmem>>, vector<1x16xf32>,
      %get3A_261 = arith.index_cast %scan3A_206 : i32 to index
      %get3A_262 = arith.constant 64 : index
      %get3A_263 = tpu.vector_load %arg9[%get3A_261, %get3A_262] {strides = array<i32>} : memref<128x128xf32, #tpu.memory_space<vmem>>, vector<1x16xf32>,
      %get3A_264 = vector.shape_cast %get3A_263 : vector<1x16xf32> to vector<16xf32>
      %get3A_265 = arith.index_cast %scan3A_206 : i32 to index
      %get3A_266 = arith.constant 64 : index
      %get3A_267 = tpu.vector_load %arg11[%get3A_265, %get3A_266] {strides = array<i32>} : memref<128x128xf32, #tpu.memory_space<vmem>>, vector<1x16xf32>,
      %get3A_268 = vector.shape_cast %get3A_267 : vector<1x16xf32> to vector<16xf32>
      %add3A_269 = arith.addf %get3A_264, %get3A_268 : vector<16xf32>
      %swap3A_270 = arith.index_cast %scan3A_206 : i32 to index
      %swap3A_271 = arith.constant 64 : index
      %swap3A_272 = tpu.vector_load %arg13[%swap3A_270, %swap3A_271] {strides = array<i32>} : memref<128x128xf32, #tpu.memory_space<vmem>>, vector<1x16xf32>,
      %swap3A_273 = vector.shape_cast %swap3A_272 : vector<1x16xf32> to vector<16xf32>
      %swap3A_274 = vector.shape_cast %add3A_269 : vector<16xf32> to vector<1x16xf32>
      tpu.vector_store %arg13[%swap3A_270, %swap3A_271], %swap3A_274 {strides = array<i32>} : memref<128x128xf32, #tpu.memory_space<vmem>>, vector<1x16xf32>,
      %get3A_275 = arith.index_cast %scan3A_206 : i32 to index
      %get3A_276 = arith.constant 80 : index
      %get3A_277 = tpu.vector_load %arg9[%get3A_275, %get3A_276] {strides = array<i32>} : memref<128x128xf32, #tpu.memory_space<vmem>>, vector<1x16xf32>,
      %get3A_278 = vector.shape_cast %get3A_277 : vector<1x16xf32> to vector<16xf32>
      %get3A_279 = arith.index_cast %scan3A_206 : i32 to index
      %get3A_280 = arith.constant 80 : index
      %get3A_281 = tpu.vector_load %arg11[%get3A_279, %get3A_280] {strides = array<i32>} : memref<128x128xf32, #tpu.memory_space<vmem>>, vector<1x16xf32>,
      %get3A_282 = vector.shape_cast %get3A_281 : vector<1x16xf32> to vector<16xf32>
      %add3A_283 = arith.addf %get3A_278, %get3A_282 : vector<16xf32>
      %swap3A_284 = arith.index_cast %scan3A_206 : i32 to index
      %swap3A_285 = arith.constant 80 : index
      %swap3A_286 = tpu.vector_load %arg13[%swap3A_284, %swap3A_285] {strides = array<i32>} : memref<128x128xf32, #tpu.memory_space<vmem>>, vector<1x16xf32>,
      %swap3A_287 = vector.shape_cast %swap3A_286 : vector<1x16xf32> to vector<16xf32>
      %swap3A_288 = vector.shape_cast %add3A_283 : vector<16xf32> to vector<1x16xf32>
      tpu.vector_store %arg13[%swap3A_284, %swap3A_285], %swap3A_288 {strides = array<i32>} : memref<128x128xf32, #tpu.memory_space<vmem>>, vector<1x16xf32>,
      %get3A_289 = arith.index_cast %scan3A_206 : i32 to index
      %get3A_290 = arith.constant 96 : index
      %get3A_291 = tpu.vector_load %arg9[%get3A_289, %get3A_290] {strides = array<i32>} : memref<128x128xf32, #tpu.memory_space<vmem>>, vector<1x16xf32>,
      %get3A_292 = vector.shape_cast %get3A_291 : vector<1x16xf32> to vector<16xf32>
      %get3A_293 = arith.index_cast %scan3A_206 : i32 to index
      %get3A_294 = arith.constant 96 : index
      %get3A_295 = tpu.vector_load %arg11[%get3A_293, %get3A_294] {strides = array<i32>} : memref<128x128xf32, #tpu.memory_space<vmem>>, vector<1x16xf32>,
      %get3A_296 = vector.shape_cast %get3A_295 : vector<1x16xf32> to vector<16xf32>
      %add3A_297 = arith.addf %get3A_292, %get3A_296 : vector<16xf32>
      %swap3A_298 = arith.index_cast %scan3A_206 : i32 to index
      %swap3A_299 = arith.constant 96 : index
      %swap3A_300 = tpu.vector_load %arg13[%swap3A_298, %swap3A_299] {strides = array<i32>} : memref<128x128xf32, #tpu.memory_space<vmem>>, vector<1x16xf32>,
      %swap3A_301 = vector.shape_cast %swap3A_300 : vector<1x16xf32> to vector<16xf32>
      %swap3A_302 = vector.shape_cast %add3A_297 : vector<16xf32> to vector<1x16xf32>
      tpu.vector_store %arg13[%swap3A_298, %swap3A_299], %swap3A_302 {strides = array<i32>} : memref<128x128xf32, #tpu.memory_space<vmem>>, vector<1x16xf32>,
      %get3A_303 = arith.index_cast %scan3A_206 : i32 to index
      %get3A_304 = arith.constant 112 : index
      %get3A_305 = tpu.vector_load %arg9[%get3A_303, %get3A_304] {strides = array<i32>} : memref<128x128xf32, #tpu.memory_space<vmem>>, vector<1x16xf32>,
      %get3A_306 = vector.shape_cast %get3A_305 : vector<1x16xf32> to vector<16xf32>
      %get3A_307 = arith.index_cast %scan3A_206 : i32 to index
      %get3A_308 = arith.constant 112 : index
      %get3A_309 = tpu.vector_load %arg11[%get3A_307, %get3A_308] {strides = array<i32>} : memref<128x128xf32, #tpu.memory_space<vmem>>, vector<1x16xf32>,
      %get3A_310 = vector.shape_cast %get3A_309 : vector<1x16xf32> to vector<16xf32>
      %add3A_311 = arith.addf %get3A_306, %get3A_310 : vector<16xf32>
      %swap3A_312 = arith.index_cast %scan3A_206 : i32 to index
      %swap3A_313 = arith.constant 112 : index
      %swap3A_314 = tpu.vector_load %arg13[%swap3A_312, %swap3A_313] {strides = array<i32>} : memref<128x128xf32, #tpu.memory_space<vmem>>, vector<1x16xf32>,
      %swap3A_315 = vector.shape_cast %swap3A_314 : vector<1x16xf32> to vector<16xf32>
      %swap3A_316 = vector.shape_cast %add3A_311 : vector<16xf32> to vector<1x16xf32>
      tpu.vector_store %arg13[%swap3A_312, %swap3A_313], %swap3A_316 {strides = array<i32>} : memref<128x128xf32, #tpu.memory_space<vmem>>, vector<1x16xf32>,
    }
    %scan3A_153 = arith.constant 128 : i32
    %add3A_154 = arith.constant 6144 : i32
    %add3A_155 = arith.addi %mul3A_2, %add3A_154 : i32
    %dma_start3A_156 = arith.constant 0 : i32
    %dma_start3A_157 = tpu.memref_slice %arg6[%add3A_155, %dma_start3A_156] : memref<204800x128xf32, #tpu.memory_space<hbm>> -> memref<128x128xf32, #tpu.memory_space<hbm>>
    %dma_start3A_158 = arith.constant 0 : i32
    %dma_start3A_159 = tpu.memref_slice %arg6[%add3A_155, %dma_start3A_158] : memref<204800x128xf32, #tpu.memory_space<hbm>> -> memref<128x128xf32, #tpu.memory_space<hbm>>
    tpu.enqueue_dma source(%arg13 : memref<128x128xf32, #tpu.memory_space<vmem>>) target(%dma_start3A_159 : memref<128x128xf32, #tpu.memory_space<hbm>>) target_semaphore(%arg19 : memref<!tpu.dma_semaphore, #tpu.memory_space<semaphore_mem>>)
    %dma_wait3A_160 = arith.constant 0 : i32
    %dma_wait3A_161 = arith.constant 49 : i32
    %dma_wait3A_162 = arith.constant 0 : i32
    %dma_wait3A_163 = tpu.memref_slice %arg7[%dma_wait3A_160, %dma_wait3A_161, %dma_wait3A_162] : memref<1x50x128xi32, #tpu.memory_space<vmem>> -> memref<1x1x128xi32, #tpu.memory_space<vmem>>
    %dma_wait3A_164 = tpu.memref_squeeze %dma_wait3A_163 : memref<1x1x128xi32, #tpu.memory_space<vmem>> -> memref<128xi32, #tpu.memory_space<vmem>>
    %dma_wait3A_165 = arith.constant 0 : i32
    %dma_wait3A_166 = arith.constant 0 : i32
    %dma_wait3A_167 = tpu.memref_slice %arg2[%dma_wait3A_165, %dma_wait3A_166] : memref<100000x128xf32, #tpu.memory_space<hbm>> -> memref<100000x128xf32, #tpu.memory_space<hbm>>
    tpu.wait_indirect_dma semaphore(%arg16 : memref<!tpu.dma_semaphore, #tpu.memory_space<semaphore_mem>>) src(%dma_wait3A_167 : memref<100000x128xf32, #tpu.memory_space<hbm>>) dst(%arg10 : memref<128x128xf32, #tpu.memory_space<vmem>>)
    %dma_wait3A_168 = arith.constant 0 : i32
    %dma_wait3A_169 = arith.constant 49 : i32
    %dma_wait3A_170 = arith.constant 0 : i32
    %dma_wait3A_171 = tpu.memref_slice %arg8[%dma_wait3A_168, %dma_wait3A_169, %dma_wait3A_170] : memref<1x50x128xi32, #tpu.memory_space<vmem>> -> memref<1x1x128xi32, #tpu.memory_space<vmem>>
    %dma_wait3A_172 = tpu.memref_squeeze %dma_wait3A_171 : memref<1x1x128xi32, #tpu.memory_space<vmem>> -> memref<128xi32, #tpu.memory_space<vmem>>
    %dma_wait3A_173 = arith.constant 0 : i32
    %dma_wait3A_174 = arith.constant 0 : i32
    %dma_wait3A_175 = tpu.memref_slice %arg3[%dma_wait3A_173, %dma_wait3A_174] : memref<10000x128xf32, #tpu.memory_space<hbm>> -> memref<10000x128xf32, #tpu.memory_space<hbm>>
    tpu.wait_indirect_dma semaphore(%arg18 : memref<!tpu.dma_semaphore, #tpu.memory_space<semaphore_mem>>) src(%dma_wait3A_175 : memref<10000x128xf32, #tpu.memory_space<hbm>>) dst(%arg12 : memref<128x128xf32, #tpu.memory_space<vmem>>)
    %add3A_176 = arith.constant 6016 : i32
    %add3A_177 = arith.addi %mul3A_2, %add3A_176 : i32
    %dma_wait3A_178 = arith.constant 0 : i32
    %dma_wait3A_179 = tpu.memref_slice %arg6[%add3A_177, %dma_wait3A_178] : memref<204800x128xf32, #tpu.memory_space<hbm>> -> memref<128x128xf32, #tpu.memory_space<hbm>>
    %dma_wait3A_180 = arith.constant 0 : i32
    %dma_wait3A_181 = tpu.memref_slice %arg6[%add3A_177, %dma_wait3A_180] : memref<204800x128xf32, #tpu.memory_space<hbm>> -> memref<128x128xf32, #tpu.memory_space<hbm>>
    tpu.wait_dma2 semaphore(%arg20 : memref<!tpu.dma_semaphore, #tpu.memory_space<semaphore_mem>>) src(%arg14 : memref<128x128xf32, #tpu.memory_space<vmem>>) dst(%dma_wait3A_181 : memref<128x128xf32, #tpu.memory_space<hbm>>)
    %scan3A_182 = arith.constant 0 : i32
    %scan3A_183 = arith.constant 0 : i32
    %scan3A_184 = arith.constant 128 : i32
    %scan3A_185 = arith.addi %scan3A_183, %scan3A_184 : i32
    %scan3A_186 = arith.constant 1 : i32
    scf.for %scan3A_206 = %scan3A_183 to %scan3A_185 step %scan3A_186  : i32 {
      %get3A = arith.index_cast %scan3A_206 : i32 to index
      %get3A_207 = arith.constant 0 : index
      %get3A_208 = tpu.vector_load %arg10[%get3A, %get3A_207] {strides = array<i32>} : memref<128x128xf32, #tpu.memory_space<vmem>>, vector<1x16xf32>,
      %get3A_209 = vector.shape_cast %get3A_208 : vector<1x16xf32> to vector<16xf32>
      %get3A_210 = arith.index_cast %scan3A_206 : i32 to index
      %get3A_211 = arith.constant 0 : index
      %get3A_212 = tpu.vector_load %arg12[%get3A_210, %get3A_211] {strides = array<i32>} : memref<128x128xf32, #tpu.memory_space<vmem>>, vector<1x16xf32>,
      %get3A_213 = vector.shape_cast %get3A_212 : vector<1x16xf32> to vector<16xf32>
      %add3A_214 = arith.addf %get3A_209, %get3A_213 : vector<16xf32>
      %swap3A = arith.index_cast %scan3A_206 : i32 to index
      %swap3A_215 = arith.constant 0 : index
      %swap3A_216 = tpu.vector_load %arg14[%swap3A, %swap3A_215] {strides = array<i32>} : memref<128x128xf32, #tpu.memory_space<vmem>>, vector<1x16xf32>,
      %swap3A_217 = vector.shape_cast %swap3A_216 : vector<1x16xf32> to vector<16xf32>
      %swap3A_218 = vector.shape_cast %add3A_214 : vector<16xf32> to vector<1x16xf32>
      tpu.vector_store %arg14[%swap3A, %swap3A_215], %swap3A_218 {strides = array<i32>} : memref<128x128xf32, #tpu.memory_space<vmem>>, vector<1x16xf32>,
      %get3A_219 = arith.index_cast %scan3A_206 : i32 to index
      %get3A_220 = arith.constant 16 : index
      %get3A_221 = tpu.vector_load %arg10[%get3A_219, %get3A_220] {strides = array<i32>} : memref<128x128xf32, #tpu.memory_space<vmem>>, vector<1x16xf32>,
      %get3A_222 = vector.shape_cast %get3A_221 : vector<1x16xf32> to vector<16xf32>
      %get3A_223 = arith.index_cast %scan3A_206 : i32 to index
      %get3A_224 = arith.constant 16 : index
      %get3A_225 = tpu.vector_load %arg12[%get3A_223, %get3A_224] {strides = array<i32>} : memref<128x128xf32, #tpu.memory_space<vmem>>, vector<1x16xf32>,
      %get3A_226 = vector.shape_cast %get3A_225 : vector<1x16xf32> to vector<16xf32>
      %add3A_227 = arith.addf %get3A_222, %get3A_226 : vector<16xf32>
      %swap3A_228 = arith.index_cast %scan3A_206 : i32 to index
      %swap3A_229 = arith.constant 16 : index
      %swap3A_230 = tpu.vector_load %arg14[%swap3A_228, %swap3A_229] {strides = array<i32>} : memref<128x128xf32, #tpu.memory_space<vmem>>, vector<1x16xf32>,
      %swap3A_231 = vector.shape_cast %swap3A_230 : vector<1x16xf32> to vector<16xf32>
      %swap3A_232 = vector.shape_cast %add3A_227 : vector<16xf32> to vector<1x16xf32>
      tpu.vector_store %arg14[%swap3A_228, %swap3A_229], %swap3A_232 {strides = array<i32>} : memref<128x128xf32, #tpu.memory_space<vmem>>, vector<1x16xf32>,
      %get3A_233 = arith.index_cast %scan3A_206 : i32 to index
      %get3A_234 = arith.constant 32 : index
      %get3A_235 = tpu.vector_load %arg10[%get3A_233, %get3A_234] {strides = array<i32>} : memref<128x128xf32, #tpu.memory_space<vmem>>, vector<1x16xf32>,
      %get3A_236 = vector.shape_cast %get3A_235 : vector<1x16xf32> to vector<16xf32>
      %get3A_237 = arith.index_cast %scan3A_206 : i32 to index
      %get3A_238 = arith.constant 32 : index
      %get3A_239 = tpu.vector_load %arg12[%get3A_237, %get3A_238] {strides = array<i32>} : memref<128x128xf32, #tpu.memory_space<vmem>>, vector<1x16xf32>,
      %get3A_240 = vector.shape_cast %get3A_239 : vector<1x16xf32> to vector<16xf32>
      %add3A_241 = arith.addf %get3A_236, %get3A_240 : vector<16xf32>
      %swap3A_242 = arith.index_cast %scan3A_206 : i32 to index
      %swap3A_243 = arith.constant 32 : index
      %swap3A_244 = tpu.vector_load %arg14[%swap3A_242, %swap3A_243] {strides = array<i32>} : memref<128x128xf32, #tpu.memory_space<vmem>>, vector<1x16xf32>,
      %swap3A_245 = vector.shape_cast %swap3A_244 : vector<1x16xf32> to vector<16xf32>
      %swap3A_246 = vector.shape_cast %add3A_241 : vector<16xf32> to vector<1x16xf32>
      tpu.vector_store %arg14[%swap3A_242, %swap3A_243], %swap3A_246 {strides = array<i32>} : memref<128x128xf32, #tpu.memory_space<vmem>>, vector<1x16xf32>,
      %get3A_247 = arith.index_cast %scan3A_206 : i32 to index
      %get3A_248 = arith.constant 48 : index
      %get3A_249 = tpu.vector_load %arg10[%get3A_247, %get3A_248] {strides = array<i32>} : memref<128x128xf32, #tpu.memory_space<vmem>>, vector<1x16xf32>,
      %get3A_250 = vector.shape_cast %get3A_249 : vector<1x16xf32> to vector<16xf32>
      %get3A_251 = arith.index_cast %scan3A_206 : i32 to index
      %get3A_252 = arith.constant 48 : index
      %get3A_253 = tpu.vector_load %arg12[%get3A_251, %get3A_252] {strides = array<i32>} : memref<128x128xf32, #tpu.memory_space<vmem>>, vector<1x16xf32>,
      %get3A_254 = vector.shape_cast %get3A_253 : vector<1x16xf32> to vector<16xf32>
      %add3A_255 = arith.addf %get3A_250, %get3A_254 : vector<16xf32>
      %swap3A_256 = arith.index_cast %scan3A_206 : i32 to index
      %swap3A_257 = arith.constant 48 : index
      %swap3A_258 = tpu.vector_load %arg14[%swap3A_256, %swap3A_257] {strides = array<i32>} : memref<128x128xf32, #tpu.memory_space<vmem>>, vector<1x16xf32>,
      %swap3A_259 = vector.shape_cast %swap3A_258 : vector<1x16xf32> to vector<16xf32>
      %swap3A_260 = vector.shape_cast %add3A_255 : vector<16xf32> to vector<1x16xf32>
      tpu.vector_store %arg14[%swap3A_256, %swap3A_257], %swap3A_260 {strides = array<i32>} : memref<128x128xf32, #tpu.memory_space<vmem>>, vector<1x16xf32>,
      %get3A_261 = arith.index_cast %scan3A_206 : i32 to index
      %get3A_262 = arith.constant 64 : index
      %get3A_263 = tpu.vector_load %arg10[%get3A_261, %get3A_262] {strides = array<i32>} : memref<128x128xf32, #tpu.memory_space<vmem>>, vector<1x16xf32>,
      %get3A_264 = vector.shape_cast %get3A_263 : vector<1x16xf32> to vector<16xf32>
      %get3A_265 = arith.index_cast %scan3A_206 : i32 to index
      %get3A_266 = arith.constant 64 : index
      %get3A_267 = tpu.vector_load %arg12[%get3A_265, %get3A_266] {strides = array<i32>} : memref<128x128xf32, #tpu.memory_space<vmem>>, vector<1x16xf32>,
      %get3A_268 = vector.shape_cast %get3A_267 : vector<1x16xf32> to vector<16xf32>
      %add3A_269 = arith.addf %get3A_264, %get3A_268 : vector<16xf32>
      %swap3A_270 = arith.index_cast %scan3A_206 : i32 to index
      %swap3A_271 = arith.constant 64 : index
      %swap3A_272 = tpu.vector_load %arg14[%swap3A_270, %swap3A_271] {strides = array<i32>} : memref<128x128xf32, #tpu.memory_space<vmem>>, vector<1x16xf32>,
      %swap3A_273 = vector.shape_cast %swap3A_272 : vector<1x16xf32> to vector<16xf32>
      %swap3A_274 = vector.shape_cast %add3A_269 : vector<16xf32> to vector<1x16xf32>
      tpu.vector_store %arg14[%swap3A_270, %swap3A_271], %swap3A_274 {strides = array<i32>} : memref<128x128xf32, #tpu.memory_space<vmem>>, vector<1x16xf32>,
      %get3A_275 = arith.index_cast %scan3A_206 : i32 to index
      %get3A_276 = arith.constant 80 : index
      %get3A_277 = tpu.vector_load %arg10[%get3A_275, %get3A_276] {strides = array<i32>} : memref<128x128xf32, #tpu.memory_space<vmem>>, vector<1x16xf32>,
      %get3A_278 = vector.shape_cast %get3A_277 : vector<1x16xf32> to vector<16xf32>
      %get3A_279 = arith.index_cast %scan3A_206 : i32 to index
      %get3A_280 = arith.constant 80 : index
      %get3A_281 = tpu.vector_load %arg12[%get3A_279, %get3A_280] {strides = array<i32>} : memref<128x128xf32, #tpu.memory_space<vmem>>, vector<1x16xf32>,
      %get3A_282 = vector.shape_cast %get3A_281 : vector<1x16xf32> to vector<16xf32>
      %add3A_283 = arith.addf %get3A_278, %get3A_282 : vector<16xf32>
      %swap3A_284 = arith.index_cast %scan3A_206 : i32 to index
      %swap3A_285 = arith.constant 80 : index
      %swap3A_286 = tpu.vector_load %arg14[%swap3A_284, %swap3A_285] {strides = array<i32>} : memref<128x128xf32, #tpu.memory_space<vmem>>, vector<1x16xf32>,
      %swap3A_287 = vector.shape_cast %swap3A_286 : vector<1x16xf32> to vector<16xf32>
      %swap3A_288 = vector.shape_cast %add3A_283 : vector<16xf32> to vector<1x16xf32>
      tpu.vector_store %arg14[%swap3A_284, %swap3A_285], %swap3A_288 {strides = array<i32>} : memref<128x128xf32, #tpu.memory_space<vmem>>, vector<1x16xf32>,
      %get3A_289 = arith.index_cast %scan3A_206 : i32 to index
      %get3A_290 = arith.constant 96 : index
      %get3A_291 = tpu.vector_load %arg10[%get3A_289, %get3A_290] {strides = array<i32>} : memref<128x128xf32, #tpu.memory_space<vmem>>, vector<1x16xf32>,
      %get3A_292 = vector.shape_cast %get3A_291 : vector<1x16xf32> to vector<16xf32>
      %get3A_293 = arith.index_cast %scan3A_206 : i32 to index
      %get3A_294 = arith.constant 96 : index
      %get3A_295 = tpu.vector_load %arg12[%get3A_293, %get3A_294] {strides = array<i32>} : memref<128x128xf32, #tpu.memory_space<vmem>>, vector<1x16xf32>,
      %get3A_296 = vector.shape_cast %get3A_295 : vector<1x16xf32> to vector<16xf32>
      %add3A_297 = arith.addf %get3A_292, %get3A_296 : vector<16xf32>
      %swap3A_298 = arith.index_cast %scan3A_206 : i32 to index
      %swap3A_299 = arith.constant 96 : index
      %swap3A_300 = tpu.vector_load %arg14[%swap3A_298, %swap3A_299] {strides = array<i32>} : memref<128x128xf32, #tpu.memory_space<vmem>>, vector<1x16xf32>,
      %swap3A_301 = vector.shape_cast %swap3A_300 : vector<1x16xf32> to vector<16xf32>
      %swap3A_302 = vector.shape_cast %add3A_297 : vector<16xf32> to vector<1x16xf32>
      tpu.vector_store %arg14[%swap3A_298, %swap3A_299], %swap3A_302 {strides = array<i32>} : memref<128x128xf32, #tpu.memory_space<vmem>>, vector<1x16xf32>,
      %get3A_303 = arith.index_cast %scan3A_206 : i32 to index
      %get3A_304 = arith.constant 112 : index
      %get3A_305 = tpu.vector_load %arg10[%get3A_303, %get3A_304] {strides = array<i32>} : memref<128x128xf32, #tpu.memory_space<vmem>>, vector<1x16xf32>,
      %get3A_306 = vector.shape_cast %get3A_305 : vector<1x16xf32> to vector<16xf32>
      %get3A_307 = arith.index_cast %scan3A_206 : i32 to index
      %get3A_308 = arith.constant 112 : index
      %get3A_309 = tpu.vector_load %arg12[%get3A_307, %get3A_308] {strides = array<i32>} : memref<128x128xf32, #tpu.memory_space<vmem>>, vector<1x16xf32>,
      %get3A_310 = vector.shape_cast %get3A_309 : vector<1x16xf32> to vector<16xf32>
      %add3A_311 = arith.addf %get3A_306, %get3A_310 : vector<16xf32>
      %swap3A_312 = arith.index_cast %scan3A_206 : i32 to index
      %swap3A_313 = arith.constant 112 : index
      %swap3A_314 = tpu.vector_load %arg14[%swap3A_312, %swap3A_313] {strides = array<i32>} : memref<128x128xf32, #tpu.memory_space<vmem>>, vector<1x16xf32>,
      %swap3A_315 = vector.shape_cast %swap3A_314 : vector<1x16xf32> to vector<16xf32>
      %swap3A_316 = vector.shape_cast %add3A_311 : vector<16xf32> to vector<1x16xf32>
      tpu.vector_store %arg14[%swap3A_312, %swap3A_313], %swap3A_316 {strides = array<i32>} : memref<128x128xf32, #tpu.memory_space<vmem>>, vector<1x16xf32>,
    }
    %scan3A_187 = arith.constant 128 : i32
    %add3A_188 = arith.constant 6272 : i32
    %add3A_189 = arith.addi %mul3A_2, %add3A_188 : i32
    %dma_start3A_190 = arith.constant 0 : i32
    %dma_start3A_191 = tpu.memref_slice %arg6[%add3A_189, %dma_start3A_190] : memref<204800x128xf32, #tpu.memory_space<hbm>> -> memref<128x128xf32, #tpu.memory_space<hbm>>
    %dma_start3A_192 = arith.constant 0 : i32
    %dma_start3A_193 = tpu.memref_slice %arg6[%add3A_189, %dma_start3A_192] : memref<204800x128xf32, #tpu.memory_space<hbm>> -> memref<128x128xf32, #tpu.memory_space<hbm>>
    tpu.enqueue_dma source(%arg14 : memref<128x128xf32, #tpu.memory_space<vmem>>) target(%dma_start3A_193 : memref<128x128xf32, #tpu.memory_space<hbm>>) target_semaphore(%arg20 : memref<!tpu.dma_semaphore, #tpu.memory_space<semaphore_mem>>)
    %add3A_194 = arith.constant 6144 : i32
    %add3A_195 = arith.addi %mul3A_2, %add3A_194 : i32
    %dma_wait3A_196 = arith.constant 0 : i32
    %dma_wait3A_197 = tpu.memref_slice %arg6[%add3A_195, %dma_wait3A_196] : memref<204800x128xf32, #tpu.memory_space<hbm>> -> memref<128x128xf32, #tpu.memory_space<hbm>>
    %dma_wait3A_198 = arith.constant 0 : i32
    %dma_wait3A_199 = tpu.memref_slice %arg6[%add3A_195, %dma_wait3A_198] : memref<204800x128xf32, #tpu.memory_space<hbm>> -> memref<128x128xf32, #tpu.memory_space<hbm>>
    tpu.wait_dma2 semaphore(%arg19 : memref<!tpu.dma_semaphore, #tpu.memory_space<semaphore_mem>>) src(%arg13 : memref<128x128xf32, #tpu.memory_space<vmem>>) dst(%dma_wait3A_199 : memref<128x128xf32, #tpu.memory_space<hbm>>)
    %add3A_200 = arith.constant 6272 : i32
    %add3A_201 = arith.addi %mul3A_2, %add3A_200 : i32
    %dma_wait3A_202 = arith.constant 0 : i32
    %dma_wait3A_203 = tpu.memref_slice %arg6[%add3A_201, %dma_wait3A_202] : memref<204800x128xf32, #tpu.memory_space<hbm>> -> memref<128x128xf32, #tpu.memory_space<hbm>>
    %dma_wait3A_204 = arith.constant 0 : i32
    %dma_wait3A_205 = tpu.memref_slice %arg6[%add3A_201, %dma_wait3A_204] : memref<204800x128xf32, #tpu.memory_space<hbm>> -> memref<128x128xf32, #tpu.memory_space<hbm>>
    tpu.wait_dma2 semaphore(%arg20 : memref<!tpu.dma_semaphore, #tpu.memory_space<semaphore_mem>>) src(%arg14 : memref<128x128xf32, #tpu.memory_space<vmem>>) dst(%dma_wait3A_205 : memref<128x128xf32, #tpu.memory_space<hbm>>)
    return
  }
}

module attributes {stable_mosaic.version = 14 : i64} {
  func.func @_proj_body(%arg0: i32, %arg1: memref<4000x300xf32, #tpu.memory_space<vmem>>, %arg2: memref<128x300xf32, #tpu.memory_space<vmem>>, %arg3: memref<4000x128xf32, #tpu.memory_space<vmem>>) attributes {dimension_semantics = [#tpu.dimension_semantics<arbitrary>], iteration_bounds = array<i64: 25>, scalar_prefetch = 0 : i64, scratch_operands = 0 : i64, tpu.core_type = #tpu.core_type<tc>, window_params = [{transform_indices = @transform_0, window_bounds = array<i64: 4000, 300>}, {pipeline_mode = #tpu.pipeline_mode<synchronous>, transform_indices = @transform_1, window_bounds = array<i64: 128, 300>}, {transform_indices = @transform_2, window_bounds = array<i64: 4000, 128>}]} {
    %get3A = arith.constant 0 : index
    %get3A_0 = arith.constant 0 : index
    %get3A_1 = vector.load %arg1[%get3A, %get3A_0] : memref<4000x300xf32, #tpu.memory_space<vmem>>, vector<4000x300xf32>
    %get3A_2 = arith.constant 0 : index
    %get3A_3 = arith.constant 0 : index
    %get3A_4 = vector.load %arg2[%get3A_2, %get3A_3] : memref<128x300xf32, #tpu.memory_space<vmem>>, vector<128x300xf32>
    %dot_general3A = arith.constant dense<0.000000e+00> : vector<4000x128xf32>
    %dot_general3A_5 = tpu.matmul %get3A_1, %get3A_4, %dot_general3A {dimension_numbers = #tpu.dot_dimension_numbers<[1], [1], [0], [0], [0, 0, 1, 0], [], []>, transpose_lhs_hint = false} : vector<4000x300xf32>, vector<128x300xf32>, vector<4000x128xf32> -> vector<4000x128xf32>
    %swap3A = arith.constant 0 : index
    %swap3A_6 = arith.constant 0 : index
    %swap3A_7 = vector.load %arg3[%swap3A, %swap3A_6] : memref<4000x128xf32, #tpu.memory_space<vmem>>, vector<4000x128xf32>
    tpu.vector_store %arg3[%swap3A, %swap3A_6], %dot_general3A_5 {strides = array<i32>} : memref<4000x128xf32, #tpu.memory_space<vmem>>, vector<4000x128xf32>,
    return
  }
  func.func @transform_0(%arg0: i32) -> (i32, i32) {
    %c0_i32 = arith.constant 0 : i32
    %c0_i32_0 = arith.constant 0 : i32
    return %arg0, %c0_i32 : i32, i32
  }
  func.func @transform_1(%arg0: i32) -> (i32, i32) {
    %c0_i32 = arith.constant 0 : i32
    %c0_i32_0 = arith.constant 0 : i32
    %c0_i32_1 = arith.constant 0 : i32
    return %c0_i32, %c0_i32_0 : i32, i32
  }
  func.func @transform_2(%arg0: i32) -> (i32, i32) {
    %c0_i32 = arith.constant 0 : i32
    %c0_i32_0 = arith.constant 0 : i32
    return %arg0, %c0_i32 : i32, i32
  }
}

</mosaic_0001>

<sc_bundles>
// kernel: kernel.4.cloned.1.call-start
scs
__scs_entry_jumppad:
0x0: {  	(pc) =	sbr.rel $0x88, $3  }
0x1: {  	(tag) =	ssettag $0x0;
	lr =	simm.s32 $0x1  }
0x2: {  	[smem:$0x3F9C] =	sst lr;
	_ =	strace $0xD0000000  }
0x3: {  	_ = 	snop  }
0x4: {  	_ = 	snop  }
0x5: {  	_ = 	snop  }
0x6: {  	_ = 	snop  }
0x7: {  	_ = 	snop  }
__scs_overlays_trampoline_lowered:
0x8: {  	[smem:$0x3FAB] =	sst s0  }
0x9: {  	[smem:$0x3FAC] =	sst s1  }
0xa: {  	[smem:$0x3FAD] =	sst s2  }
0xb: {  	[smem:$0x3FAE] =	sst s3  }
0xc: {  	[smem:$0x3FAF] =	sst s4  }
0xd: {  	[smem:$0x3FB0] =	sst s5  }
0xe: {  	[smem:$0x3FB1] =	sst s6  }
0xf: {  	[smem:$0x3FB2] =	sst s7  }
0x10: {  	[smem:$0x3FB3] =	sst s8  }
0x11: {  	[smem:$0x3FB4] =	sst s9;
	s0 =	simm.s32 @!p0 $0x0  }
0x12: {  	s1 =	sld [smem:$0x3F9A];
	s0 =	simm.s32 @p0 $0x1  }
0x13: {  	[smem:$0x3FB5] =	sst s0;
	s0 =	simm.s32 @!p1 $0x0  }
0x14: {  	s2 =	sld [smem:$0x3F99];
	s0 =	simm.s32 @p1 $0x1  }
0x15: {  	[smem:$0x3FB6] =	sst s0;
	s0 =	simm.s32 @!p2 $0x0  }
0x16: {  	s3 =	sld [smem:$0x3FDB];
	s0 =	simm.s32 @p2 $0x1  }
0x17: {  	s4 =	simm.s32 $0x1BF5;
	[smem:$0x3FB8] =	sst s0  }
0x18: {  	s0 =	sld [smem:$0x3F9B];
	_ =	swait.ge [sflag:s4], $0x0  }
0x19: {  	s7 =	sld [smem:$0x3F9C]  }
0x1a: {  	s8 =	sadd.s32 $0xFFFFE003, lr  }
0x1b: {  	s9 =	sadd.s32 $0xFFFFFEF7, lr;
	s5 =	simm.s32 $0xFFFFFFFF;
	p2 =	slt.u32 s8, $0xFFFFF086  }
0x1c: {  	p1 =	slt.u32 s9, $0xF7A;
	s5 =	simm.s32 @!p2 $0x0  }
0x1d: {  	s5 =	simm.s32 @p1 $0x1;
	p0 =	seq.s32 s7, s2  }
0x1e: {  	s7 =	smul.u32 @!p0 $0xF7A, s2;
	p2 =	seq.s32 @!p0 s5, $0x0  }
0x1f: {  	s9 =	smul.u32 $0xF7A, s1;
	s8 =	simm.s32 @!p0 $0x1BF5;
	p2 =	por !p2, p0  }
0x20: {  	[sflag:s8] =	ssyncset.s32 @!p0 $0xFFFFF086;
	s6 =	sadd.s32 @!p0 s3, s7;
	s7 =	simm.s32 @!p0 $0x108  }
0x21: {  	s3 =	sadd.s32 s3, s9;
	s6 =	sadd.s32 @!p0 $0x88, s6;
	s7 =	simm.s32 @p2 $0x1082  }
0x22: {  	[simem:s7], [sflag:s8] =	dma.local @!p0 [hbm:s6], $0xF7A  }
0x23: {  	s9 =	sor.u32 $0xD0000000, s2;
	s6 =	simm.s32 $0x108;
	_ =	swait.ge @!p0 [sflag:s8], $0x0  }
0x24: {  	s3 =	sadd.s32 $0x88, s3;
	s6 =	simm.s32 @!p1 $0x1082;
	[sflag:s4] =	ssyncset.s32 $0xFFFFF086  }
0x25: {  	[simem:s6], [sflag:s4] =	dma.local [hbm:s3], $0xF7A  }
0x26: {  	[smem:$0x3F9C] =	sst s1;
	(tag) =	ssettag s2;
	_ =	strace s9  }
0x27: {  	s1 =	sld [smem:$0x3FAC]  }
0x28: {  	s2 =	sld [smem:$0x3FAD]  }
0x29: {  	s4 =	sld [smem:$0x3FAF]  }
0x2a: {  	p0 =	seq.s32 s5, $0x0;
	s5 =	sld [smem:$0x3FB0]  }
0x2b: {  	s6 =	sld [smem:$0x3FB1]  }
0x2c: {  	s7 =	sld [smem:$0x3FB2]  }
0x2d: {  	s3 =	simm.s32 $0x108;
	s8 =	sld [smem:$0x3FB3]  }
0x2e: {  	s3 =	simm.s32 @!p0 $0x1082;
	s9 =	sld [smem:$0x3FB4]  }
0x2f: {  	lr =	sadd.s32 s0, s3;
	s0 =	sld [smem:$0x3FAB]  }
0x30: {  	s3 =	sld [smem:$0x3FAE]  }
0x31: {  	[smem:$0x3FB7] =	sst s10  }
0x32: {  	s10 =	sld [smem:$0x3FB5];
	_ =	sdelay $0x3  }
0x33: {  	p0 =	seq.s32 s10, $0x1;
	s10 =	sld [smem:$0x3FB7];
	_ =	sdelay $0x3  }
0x34: {  	[smem:$0x3FB7] =	sst s10  }
0x35: {  	s10 =	sld [smem:$0x3FB6];
	_ =	sdelay $0x3  }
0x36: {  	p1 =	seq.s32 s10, $0x1;
	s10 =	sld [smem:$0x3FB7];
	_ =	sdelay $0x3  }
0x37: {  	[smem:$0x3FB7] =	sst s10  }
0x38: {  	s10 =	sld [smem:$0x3FB8]  }
0x39: {  	_ = 	snop;
	(pc) =	sbr.ind lr, $3  }
0x3a: {  	_ = 	snop  }
0x3b: {  	_ = 	snop  }
0x3c: {  	p2 =	seq.s32 s10, $0x1;
	s10 =	sld [smem:$0x3FB7]  }
0x3d: {  	_ =	shalt  }
0x3e: {  	_ =	shalt  }
0x3f: {  	_ =	shalt  }
0x40: {  	_ =	shalt  }
0x41: {  	_ =	shalt  }
0x42: {  	_ =	shalt  }
0x43: {  	_ =	shalt  }
0x44: {  	_ =	shalt  }
0x45: {  	_ =	shalt  }
0x46: {  	_ =	shalt  }
0x47: {  	_ =	shalt  }
0x48: {  	_ =	shalt  }
0x49: {  	_ =	shalt  }
0x4a: {  	_ =	shalt  }
0x4b: {  	_ =	shalt  }
0x4c: {  	_ =	shalt  }
0x4d: {  	_ =	shalt  }
0x4e: {  	_ =	shalt  }
0x4f: {  	_ =	shalt  }
0x50: {  	_ =	shalt  }
0x51: {  	_ =	shalt  }
0x52: {  	_ =	shalt  }
0x53: {  	_ =	shalt  }
0x54: {  	_ =	shalt  }
0x55: {  	_ =	shalt  }
0x56: {  	_ =	shalt  }
0x57: {  	_ =	shalt  }
0x58: {  	_ =	shalt  }
0x59: {  	_ =	shalt  }
0x5a: {  	_ =	shalt  }
0x5b: {  	_ =	shalt  }
0x5c: {  	_ =	shalt  }
0x5d: {  	_ =	shalt  }
0x5e: {  	_ =	shalt  }
0x5f: {  	_ =	shalt  }
0x60: {  	_ =	shalt  }
0x61: {  	_ =	shalt  }
0x62: {  	_ =	shalt  }
0x63: {  	_ =	shalt  }
0x64: {  	_ =	shalt  }
0x65: {  	_ =	shalt  }
0x66: {  	_ =	shalt  }
0x67: {  	_ =	shalt  }
0x68: {  	_ =	shalt  }
0x69: {  	_ =	shalt  }
0x6a: {  	_ =	shalt  }
0x6b: {  	_ =	shalt  }
0x6c: {  	_ =	shalt  }
0x6d: {  	_ =	shalt  }
0x6e: {  	_ =	shalt  }
0x6f: {  	_ =	shalt  }
0x70: {  	_ =	shalt  }
0x71: {  	_ =	shalt  }
0x72: {  	_ =	shalt  }
0x73: {  	_ =	shalt  }
0x74: {  	_ =	shalt  }
0x75: {  	_ =	shalt  }
0x76: {  	_ =	shalt  }
0x77: {  	_ =	shalt  }
0x78: {  	_ =	shalt  }
0x79: {  	_ =	shalt  }
0x7a: {  	_ =	shalt  }
0x7b: {  	_ =	shalt  }
0x7c: {  	_ =	shalt  }
0x7d: {  	_ =	shalt  }
0x7e: {  	_ =	shalt  }
0x7f: {  	_ =	shalt  }
0x80: {  	_ =	shalt  }
0x81: {  	_ =	shalt  }
0x82: {  	_ =	shalt  }
0x83: {  	_ =	shalt  }
0x84: {  	_ =	shalt  }
0x85: {  	_ =	shalt  }
0x86: {  	_ =	shalt  }
0x87: {  	_ =	shalt  }
.Lfunc_end0:
.L_simem_size_0:
called_computation_lowered:
.L_overlay_start_0:
0x88: {  	s2 =	sld [smem:$0x3FD9]  }
0x89: {  	s3 =	sld [smem:$0x3FFE];
	_ =	sdelay $0x1  }
0x8a: {  	s1 =	srdreg.scid  }
0x8b: {  	s0 =	sand.u32 $0x1, s1  }
0x8c: {  	s17 =	sshll.u32 s0, $0xA;
	s2 =	sadd.s32 s3, s2  }
0x8d: {  	s2 =	sadd.s32 s2, s17  }
0x8e: {  	[smem:$0x3FC3] =	sst s2  }
0x8f: {  	_ = 	snop  }
0x90: {  	s2 =	sld [smem:$0x3FC6]  }
0x91: {  	s18 =	sld [smem:$0x3FD0];
	(tm) =	ssettm $0x1  }
0x92: {  	s4 =	sld [smem:$0x3FFB];
	_ =	sdelay $0x3  }
0x93: {  	_ =	strace s4  }
0x94: {  	s4 =	sld [smem:$0x3FFC];
	_ =	sdelay $0x3  }
0x95: {  	_ =	strace s4  }
0x96: {  	s4 =	sld [smem:$0x3FFD];
	_ =	sdelay $0x3  }
0x97: {  	_ =	strace s4  }
0x98: {  	_ =	strace $0x8FFFFFFF  }
0x99: {  	s19 =	sld [smem:$0x3FDB];
	_ =	sdelay $0x1  }
0x9a: {  	s5 =	simm.s32 $_scs_section_size  }
0x9b: {  	s6 =	simm.s32 $_size__tile_overlayer_lowered;
	s7 =	simm.s32 $_tile_overlayer_lowered  }
0x9c: {  	s22 =	simm.s32 $0x1BFF;
	s21 =	sshll.u32 s7, $0x1;
	s4 =	sadd.s32 s5, s19  }
0x9d: {  	s8 =	simm.s32 $0x0;
	s20 =	sshll.u32 s6, $0x1;
	s6 =	sadd.s32 s21, s4  }
0x9e: {  	[timem:s8], [sflag:s22] =	dma.local [hbm:s6], s20  }
0x9f: {  	_ =	swait.ge [sflag:s22], s20  }
0xa0: {  	s5 =	ssub.s32 $0x0, s20;
	[sflag:s22] =	ssyncset.done $0x0  }
0xa1: {  	[sflag:s22] =	ssyncadd.s32 s5;
	_ =	sdelay $0x1  }
0xa2: {  	s23 =	simm.s32 $0x1B8B  }
0xa3: {  	_ =	swait.ge [sflag:s23], $0x1  }
0xa4: {  	[sflag:s23] =	ssyncset.done $0x0  }
0xa5: {  	s25 =	simm.s32 $0x1B8E;
	s24 =	sld [smem:$0x3FFE];
	[sflag:s23] =	ssyncadd.s32 $0xFFFFFFFF  }
0xa6: {  	s26 =	simm.s32 $execute0_lowered;
	[smem:$0x3FD2] =	sst s25  }
0xa7: {  	s6 =	sshll.u32 s26, $0x1;
	_ =	strace $0x80000046;
	[dreg:$0x1] =	wrdreg $0xFFFFFFFF  }
0xa8: {  	s28 =	simm.s32 $_size_execute0_lowered;
	s4 =	sadd.s32 s4, s6;
	[dreg:$0x0] =	wrdreg $0x0  }
0xa9: {  	s6 =	sshll.u32 s28, $0x1;
	[dreg:$0x2] =	wrdreg s4  }
0xaa: {  	[dreg:$0x3] =	wrdreg s6  }
0xab: {  	[dreg:$0x4] =	wrdreg $0xC0  }
0xac: {  	_ =	task [dreg:s8], $0x5FFFF  }
0xad: {  	[dreg:$0x1] =	wrdreg $0xFFFFFFFF  }
0xae: {  	[dreg:$0x0] =	wrdreg $0x60  }
0xaf: {  	[dreg:$0x2] =	wrdreg s24  }
0xb0: {  	[dreg:$0x3] =	wrdreg s2  }
0xb1: {  	[dreg:$0x4] =	wrdreg s18  }
0xb2: {  	[dreg:$0x5] =	wrdreg $0x9  }
0xb3: {  	_ =	task.clear_ibuf [dreg:s8], $0x6FFFF;
	_ =	strace $0x90000046  }
0xb4: {  	s29 =	simm.s32 $0x9;
	_ =	strace $0x80000048  }
0xb5: {  	_ =	swait.ge [sflag:s29], $0x1  }
0xb6: {  	[sflag:s29] =	ssyncadd.s32 $0xFFFFFFFF  }
0xb7: {  	_ =	strace $0x90000048  }
0xb8: {  	_ =	sfence  }
0xb9: {  	s30 =	sld [smem:$0x0];
	_ =	sdelay $0x2  }
0xba: {  	s31 =	sshll.u32 s1, $0xD;
	s1 =	sshrl.u32 s1, $0x2  }
0xbb: {  	s3 =	sand.u32 $0x4000, s31;
	s1 =	sadd.s32 s1, s30  }
0xbc: {  	s0 =	sor.u32 s3, s0;
	s1 =	sshll.u32 s1, $0x11  }
0xbd: {  	s0 =	sor.u32 s1, s0  }
0xbe: {  	s0 =	sadd.s32 $0x8F2B, s0  }
0xbf: {  	[sflag:s0] =	ssyncadd.remote.s32 $0x1  }
0xc0: {  	_ =	sfence.sel $0xFFFF  }
0xc1: {  	[dreg:$0x0] =	wrdreg $0xFFFFFFFF;
	(pc) =	sbr.abs _section_cstart, $3  }
0xc2: {  	[dreg:$0x1] =	wrdreg $0xFFFFFFFF  }
0xc3: {  	_ =	task.clear_ibuf [dreg:s8], $0x2FFFF;
	_ =	strace $0x9FFFFFFF  }
0xc4: {  	(tm) =	ssettm $0x7FFFFFFF  }
0xc5: {  	_ =	shalt  }
tec
execute0_lowered:
.L_overlay_start_1:
0x0: {  	(tag) =	ssettag $0x1  }
0x1: {  	s0 =	rddreg [dreg:$0x0]  }
0x2: {  	s2 =	rddreg [dreg:$0x1]  }
0x3: {  	s3 =	rddreg [dreg:$0x2]  }
0x4: {  	s1 =	srdreg.scid;
	s5 =	stileid.u32  }
0x5: {  	s4 =	simm.s32 $0x0;
	s15 =	simm.s32 $0x7;
	s17 =	simm.s32 $0x80  }
0x6: {  	s18 =	simm.s32 $0x3800;
	s19 =	simm.s32 $0xB800;
	s20 =	simm.s32 $0x7800  }
0x7: {  	s22 =	simm.s32 $0xF800;
	s23 =	simm.s32 $0x1;
	s24 =	simm.s32 $0x3  }
0x8: {  	s29 =	simm.s32 $0x2;
	s30 =	simm.s32 $0x4;
	s31 =	simm.s32 $0x17800  }
0x9: {  	s21 =	simm.s32 $0x5;
	s1 =	sand.u32 $0x1, s1;
	s5 =	sshll.u32 s5, $0x1  }
0xa: {  	s28 =	simm.s32 $0x0;
	[smem:$0x7FF] =	sst s4;
	s7 =	sor.u32 s1, s5  }
0xb: {  	_ =	strace $0x80000047;
	s1 =	ssub.s32 $0x2, s1;
	s6 =	smul.u32 $0x380, s7  }
0xc: {  	s5 =	sadd.s32 $0x4A2800, s0;
	s8 =	smul.u32 $0x19000, s7;
	s9 =	sshrl.u32 s1, $0x1  }
0xd: {  	s1 =	ssub.s32 s1, s9;
	s0 =	sadd.s32 s6, s0;
	s6 =	smul.u32 $0xC8000, s7  }
0xe: {  	s7 =	smul.u32 $0x1900, s7;
	s9 =	sadd.s32 s3, s8;
	s25 =	sadd.s32 $0x494800, s0  }
0xf: {  	s14 =	smax.u32 s1, $0x1;
	s0 =	sadd.s32 $0x49B800, s0;
	[dreg:$0x4] =	wrdreg s25  }
0x10: {  	s10 =	sadd.s32 $0x800, s9;
	[dreg:$0x5] =	wrdreg s0;
	s26 =	sshrl.u32 s6, $0x3  }
0x11: {  	s11 =	sor.u32 $0x80, s7;
	s25 =	simm.s32 $0x13800;
	s0 =	sadd.s32 s3, s26  }
0x12: {  	s26 =	simm.s32 $0x6;
	s12 =	sadd.s32 $0x18000, s0;
	s13 =	sadd.s32 $0x18800, s0  }
.LBB2_1:
0x13: {  	s0 =	rddreg [dreg:$0x4]  }
0x14: {  	[tilespmem:s4], [sflag:$0x7] =	stream.linear.gather [hbm4b:s0+s4], $0x1900, $0x38;
	[tilespmem:$0x1B800] =	vst v63  }
0x15: {  	_ =	swait.ge [sflag:s15], $0x1900  }
0x16: {  	[sflag:s15] =	ssyncset.done $0x0  }
0x17: {  	s1 =	simm.s32 $0x1C00;
	s8 =	rddreg [dreg:$0x5];
	[sflag:s15] =	ssyncadd.s32 $0xFFFFE700  }
0x18: {  	[tilespmem:s1], [sflag:$0x7] =	stream.linear.gather [hbm4b:s8+s4], $0x1900, $0x38;
	[tilespmem:$0x1B800] =	vst v63  }
0x19: {  	_ =	swait.ge [sflag:s15], $0x1900  }
0x1a: {  	[sflag:s15] =	ssyncset.done $0x0  }
0x1b: {  	[sflag:s15] =	ssyncadd.s32 $0xFFFFE700  }
0x1c: {  	[tilespmem:s18], [sflag:$0x1] =	stream.indirect.gather [hbm4b:s5+s17], $0x80, s4, s17, $0xb8;
	[tilespmem:$0x1B800] =	vst v63  }
0x1d: {  	_ = 	snop  }
0x1e: {  	[tilespmem:s19], [sflag:$0x3] =	stream.indirect.gather [hbm4b:s2+s17], $0x80, s1, s17, $0xb8;
	[tilespmem:$0x1B800] =	vst v63  }
0x1f: {  	_ = 	snop  }
0x20: {  	[tilespmem:s20], [sflag:$0x2] =	stream.indirect.gather [hbm4b:s5+s17], $0x80, s17, s17, $0xb8;
	[tilespmem:$0x1B800] =	vst v63  }
0x21: {  	s16 =	simm.s32 $0x1C80  }
0x22: {  	[tilespmem:s22], [sflag:$0x4] =	stream.indirect.gather [hbm4b:s2+s17], $0x80, s16, s17, $0xb8;
	[tilespmem:$0x1B800] =	vst v63  }
0x23: {  	_ =	swait.ge [sflag:s23], $0x4000  }
0x24: {  	[sflag:s23] =	ssyncset.done $0x0  }
0x25: {  	[sflag:s23] =	ssyncadd.s32 $0xFFFFC000  }
0x26: {  	_ =	swait.ge [sflag:s24], $0x4000  }
0x27: {  	[sflag:s24] =	ssyncset.done $0x0  }
0x28: {  	s0 =	simm.s32 $0x0;
	[sflag:s24] =	ssyncadd.s32 $0xFFFFC000  }
0x29: {  	v0 =	vld [tilespmem:s0+$0x3870]  }
0x2a: {  	v1 =	vld [tilespmem:s0+$0xB870]  }
0x2b: {  	v2 =	vld [tilespmem:s0+$0x3800]  }
0x2c: {  	v3 =	vld [tilespmem:s0+$0xB800]  }
0x2d: {  	v4 =	vld [tilespmem:s0+$0x3810]  }
0x2e: {  	v5 =	vld [tilespmem:s0+$0xB810]  }
0x2f: {  	v6 =	vld [tilespmem:s0+$0x3820]  }
0x30: {  	v7 =	vld [tilespmem:s0+$0x3830]  }
0x31: {  	v0 =	vadd.f32 v1, v0;
	v1 =	vld [tilespmem:s0+$0xB820]  }
0x32: {  	v8 =	vld [tilespmem:s0+$0xB830]  }
0x33: {  	v9 =	vld [tilespmem:s0+$0xB840];
	v2 =	vadd.f32 v3, v2  }
0x34: {  	[tilespmem:s0+$0x13870] =	vst v0;
	v0 =	vadd.f32 v5, v4;
	v5 =	vld [tilespmem:s0+$0x3840]  }
0x35: {  	v3 =	vld [tilespmem:s0+$0xB850];
	[tilespmem:s0+$0x13800] =	vst v2  }
0x36: {  	v2 =	vld [tilespmem:s0+$0x3850];
	[tilespmem:s0+$0x13810] =	vst v0;
	v0 =	vadd.f32 v1, v6  }
0x37: {  	v4 =	vld [tilespmem:s0+$0xB860];
	v6 =	vadd.f32 v8, v7  }
0x38: {  	s1 =	simm.s32 $0x80;
	[tilespmem:s0+$0x13820] =	vst v0;
	v0 =	vld [tilespmem:s0+$0x3860]  }
0x39: {  	s7 =	simm.s32 $0x400;
	v5 =	vadd.f32 v9, v5;
	v1 =	vld [tilespmem:s1+$0x3870];
	[tilespmem:s0+$0x13830] =	vst v6  }
.LBB2_2:
0x3a: {  	p0 =	sne.s32 s7, $0xFE00;
	v6 =	vld [tilespmem:s1+$0xB870]  }
0x3b: {  	v7 =	vld [tilespmem:s1+$0x3800];
	[tilespmem:s0+$0x13840] =	vst v5;
	v2 =	vadd.f32 v3, v2  }
0x3c: {  	v3 =	vld [tilespmem:s1+$0xB800]  }
0x3d: {  	v5 =	vld [tilespmem:s1+$0x3810];
	[tilespmem:s0+$0x13850] =	vst v2;
	v0 =	vadd.f32 v4, v0  }
0x3e: {  	v2 =	vld [tilespmem:s1+$0xB810]  }
0x3f: {  	v4 =	vld [tilespmem:s1+$0x3820];
	v1 =	vadd.f32 v6, v1;
	[tilespmem:s0+$0x13860] =	vst v0;
	s0 =	smov.u32 s1  }
0x40: {  	v0 =	vld [tilespmem:s0+$0xB820]  }
0x41: {  	v3 =	vadd.f32 v3, v7;
	v6 =	vld [tilespmem:s0+$0x3830];
	[tilespmem:s0+$0x13870] =	vst v1  }
0x42: {  	v1 =	vld [tilespmem:s0+$0xB830]  }
0x43: {  	[tilespmem:s0+$0x13800] =	vst v3;
	v2 =	vadd.f32 v2, v5;
	v5 =	vld [tilespmem:s0+$0x3840]  }
0x44: {  	v7 =	vld [tilespmem:s0+$0xB840]  }
.Ltmp0:
0x45: {  	[tilespmem:s0+$0x13810] =	vst v2;
	v0 =	vadd.f32 v0, v4;
	v2 =	vld [tilespmem:s0+$0x3850];
	(pc) =	sbr.rel @p0 .LBB2_2-.Ltmp0, $4  }
0x46: {  	v3 =	vld [tilespmem:s0+$0xB850]  }
0x47: {  	[tilespmem:s0+$0x13820] =	vst v0;
	v6 =	vadd.f32 v1, v6;
	v0 =	vld [tilespmem:s0+$0x3860]  }
0x48: {  	s1 =	sshra.s32 s7, $0x2;
	v4 =	vld [tilespmem:s0+$0xB860]  }
0x49: {  	s7 =	sadd.s32 $0x200, s7;
	v1 =	vld [tilespmem:s1+$0x3870];
	[tilespmem:s0+$0x13830] =	vst v6;
	v5 =	vadd.f32 v7, v5  }
0x4a: {  	v6 =	vld [tilespmem:s1+$0xB870]  }
0x4b: {  	v7 =	vld [tilespmem:s1+$0x3800];
	[tilespmem:s0+$0x13840] =	vst v5;
	v2 =	vadd.f32 v3, v2  }
0x4c: {  	v3 =	vld [tilespmem:s1+$0xB800]  }
0x4d: {  	v5 =	vld [tilespmem:s1+$0x3810];
	[tilespmem:s0+$0x13850] =	vst v2;
	v0 =	vadd.f32 v4, v0  }
0x4e: {  	v2 =	vld [tilespmem:s1+$0xB810]  }
0x4f: {  	v4 =	vld [tilespmem:s1+$0x3820];
	[tilespmem:s0+$0x13860] =	vst v0  }
0x50: {  	v0 =	vadd.f32 v6, v1;
	v1 =	vld [tilespmem:s1+$0xB820]  }
0x51: {  	v6 =	vld [tilespmem:s1+$0x3830]  }
0x52: {  	v3 =	vadd.f32 v3, v7;
	[tilespmem:s1+$0x13870] =	vst v0;
	v0 =	vld [tilespmem:s1+$0xB830]  }
0x53: {  	v7 =	vld [tilespmem:s1+$0xB860]  }
0x54: {  	[tilespmem:s1+$0x13800] =	vst v3;
	v2 =	vadd.f32 v2, v5;
	v3 =	vld [tilespmem:s1+$0x3840]  }
0x55: {  	v5 =	vld [tilespmem:s1+$0xB840]  }
0x56: {  	[tilespmem:s1+$0x13810] =	vst v2;
	v1 =	vadd.f32 v1, v4;
	v2 =	vld [tilespmem:s1+$0x3850]  }
0x57: {  	v4 =	vld [tilespmem:s1+$0xB850]  }
0x58: {  	[tilespmem:s1+$0x13820] =	vst v1;
	v1 =	vld [tilespmem:s1+$0x3860];
	_ =	sdelay $0x1  }
0x59: {  	v0 =	vadd.f32 v0, v6  }
0x5a: {  	v3 =	vadd.f32 v5, v3  }
0x5b: {  	[tilespmem:s1+$0x13830] =	vst v0;
	v0 =	vadd.f32 v4, v2  }
0x5c: {  	[tilespmem:s1+$0x13840] =	vst v3;
	v1 =	vadd.f32 v7, v1  }
0x5d: {  	[tilespmem:s1+$0x13850] =	vst v0  }
0x5e: {  	s7 =	simm.s32 $0x0;
	[tilespmem:s1+$0x13860] =	vst v1  }
0x5f: {  	[hbm4b:s9+s7] =	stream.linear.scatter [tilespmem:s25], [sflag:$0x5], $0x4000, $0x38;
	[tilespmem:$0x1B800] =	vst v63  }
0x60: {  	s8 =	simm.s32 $0x100  }
0x61: {  	[tilespmem:s18], [sflag:$0x1] =	stream.indirect.gather [hbm4b:s5+s17], $0x80, s8, s17, $0xb8;
	[tilespmem:$0x1B800] =	vst v63  }
0x62: {  	s16 =	simm.s32 $0x1D00  }
0x63: {  	[tilespmem:s19], [sflag:$0x3] =	stream.indirect.gather [hbm4b:s2+s17], $0x80, s16, s17, $0xb8;
	[tilespmem:$0x1B800] =	vst v63  }
0x64: {  	_ =	swait.ge [sflag:s29], $0x4000  }
0x65: {  	[sflag:s29] =	ssyncset.done $0x0  }
0x66: {  	[sflag:s29] =	ssyncadd.s32 $0xFFFFC000  }
0x67: {  	_ =	swait.ge [sflag:s30], $0x4000  }
0x68: {  	[sflag:s30] =	ssyncset.done $0x0  }
0x69: {  	s0 =	simm.s32 $0x0;
	[sflag:s30] =	ssyncadd.s32 $0xFFFFC000  }
0x6a: {  	v0 =	vld [tilespmem:s0+$0x7870]  }
0x6b: {  	v1 =	vld [tilespmem:s0+$0xF870]  }
0x6c: {  	v2 =	vld [tilespmem:s0+$0x7800]  }
0x6d: {  	v3 =	vld [tilespmem:s0+$0xF800]  }
0x6e: {  	v4 =	vld [tilespmem:s0+$0x7810]  }
0x6f: {  	v5 =	vld [tilespmem:s0+$0xF810]  }
0x70: {  	v6 =	vld [tilespmem:s0+$0x7820]  }
0x71: {  	v7 =	vld [tilespmem:s0+$0x7830]  }
0x72: {  	v0 =	vadd.f32 v1, v0;
	v1 =	vld [tilespmem:s0+$0xF820]  }
0x73: {  	v8 =	vld [tilespmem:s0+$0xF830]  }
0x74: {  	v9 =	vld [tilespmem:s0+$0xF840];
	v2 =	vadd.f32 v3, v2  }
0x75: {  	[tilespmem:s0+$0x17870] =	vst v0;
	v0 =	vadd.f32 v5, v4;
	v5 =	vld [tilespmem:s0+$0x7840]  }
0x76: {  	v3 =	vld [tilespmem:s0+$0xF850];
	[tilespmem:s0+$0x17800] =	vst v2  }
0x77: {  	v2 =	vld [tilespmem:s0+$0x7850];
	[tilespmem:s0+$0x17810] =	vst v0;
	v0 =	vadd.f32 v1, v6  }
0x78: {  	v4 =	vld [tilespmem:s0+$0xF860];
	v6 =	vadd.f32 v8, v7  }
0x79: {  	s1 =	simm.s32 $0x80;
	[tilespmem:s0+$0x17820] =	vst v0;
	v0 =	vld [tilespmem:s0+$0x7860]  }
0x7a: {  	s7 =	simm.s32 $0x400;
	v5 =	vadd.f32 v9, v5;
	v1 =	vld [tilespmem:s1+$0x7870];
	[tilespmem:s0+$0x17830] =	vst v6  }
.LBB2_4:
0x7b: {  	p0 =	sne.s32 s7, $0xFE00;
	v6 =	vld [tilespmem:s1+$0xF870]  }
0x7c: {  	v7 =	vld [tilespmem:s1+$0x7800];
	[tilespmem:s0+$0x17840] =	vst v5;
	v2 =	vadd.f32 v3, v2  }
0x7d: {  	v3 =	vld [tilespmem:s1+$0xF800]  }
0x7e: {  	v5 =	vld [tilespmem:s1+$0x7810];
	[tilespmem:s0+$0x17850] =	vst v2;
	v0 =	vadd.f32 v4, v0  }
0x7f: {  	v2 =	vld [tilespmem:s1+$0xF810]  }
0x80: {  	v4 =	vld [tilespmem:s1+$0x7820];
	v1 =	vadd.f32 v6, v1;
	[tilespmem:s0+$0x17860] =	vst v0;
	s0 =	smov.u32 s1  }
0x81: {  	v0 =	vld [tilespmem:s0+$0xF820]  }
0x82: {  	v3 =	vadd.f32 v3, v7;
	v6 =	vld [tilespmem:s0+$0x7830];
	[tilespmem:s0+$0x17870] =	vst v1  }
0x83: {  	v1 =	vld [tilespmem:s0+$0xF830]  }
0x84: {  	[tilespmem:s0+$0x17800] =	vst v3;
	v2 =	vadd.f32 v2, v5;
	v5 =	vld [tilespmem:s0+$0x7840]  }
0x85: {  	v7 =	vld [tilespmem:s0+$0xF840]  }
.Ltmp1:
0x86: {  	[tilespmem:s0+$0x17810] =	vst v2;
	v0 =	vadd.f32 v0, v4;
	v2 =	vld [tilespmem:s0+$0x7850];
	(pc) =	sbr.rel @p0 .LBB2_4-.Ltmp1, $4  }
0x87: {  	v3 =	vld [tilespmem:s0+$0xF850]  }
0x88: {  	[tilespmem:s0+$0x17820] =	vst v0;
	v6 =	vadd.f32 v1, v6;
	v0 =	vld [tilespmem:s0+$0x7860]  }
0x89: {  	s1 =	sshra.s32 s7, $0x2;
	v4 =	vld [tilespmem:s0+$0xF860]  }
0x8a: {  	s7 =	sadd.s32 $0x200, s7;
	v1 =	vld [tilespmem:s1+$0x7870];
	[tilespmem:s0+$0x17830] =	vst v6;
	v5 =	vadd.f32 v7, v5  }
0x8b: {  	v6 =	vld [tilespmem:s1+$0xF870]  }
0x8c: {  	v7 =	vld [tilespmem:s1+$0x7800];
	[tilespmem:s0+$0x17840] =	vst v5;
	v2 =	vadd.f32 v3, v2  }
0x8d: {  	v51 =	vld [tilespmem:s1+$0xF800]  }
0x8e: {  	v5 =	vld [tilespmem:s1+$0x7810];
	[tilespmem:s0+$0x17850] =	vst v2;
	v0 =	vadd.f32 v4, v0  }
0x8f: {  	v2 =	vld [tilespmem:s1+$0xF810]  }
0x90: {  	v52 =	vld [tilespmem:s1+$0x7820];
	[tilespmem:s0+$0x17860] =	vst v0  }
0x91: {  	v54 =	vld [tilespmem:s1+$0xF820]  }
0x92: {  	v55 =	vld [tilespmem:s1+$0x7830]  }
0x93: {  	v56 =	vld [tilespmem:s1+$0xF830]  }
0x94: {  	v57 =	vld [tilespmem:s1+$0x7840]  }
0x95: {  	v58 =	vld [tilespmem:s1+$0xF840]  }
0x96: {  	v59 =	vld [tilespmem:s1+$0x7850]  }
0x97: {  	v53 =	vadd.f32 v6, v1;
	v60 =	vld [tilespmem:s1+$0xF850]  }
0x98: {  	v61 =	vld [tilespmem:s1+$0x7860];
	v3 =	vadd.f32 v51, v7  }
0x99: {  	v62 =	vld [tilespmem:s1+$0xF860];
	[tilespmem:s1+$0x17870] =	vst v53;
	v2 =	vadd.f32 v2, v5  }
0x9a: {  	[tilespmem:s1+$0x17800] =	vst v3;
	v1 =	vadd.f32 v54, v52  }
0x9b: {  	[tilespmem:s1+$0x17810] =	vst v2;
	v0 =	vadd.f32 v56, v55  }
0x9c: {  	v3 =	vadd.f32 v58, v57;
	[tilespmem:s1+$0x17820] =	vst v1  }
0x9d: {  	v63 =	vadd.f32 v60, v59;
	[tilespmem:s1+$0x17830] =	vst v0  }
0x9e: {  	[tilespmem:s1+$0x17840] =	vst v3;
	v1 =	vadd.f32 v62, v61  }
0x9f: {  	[tilespmem:s1+$0x17850] =	vst v63  }
0xa0: {  	[tilespmem:s1+$0x17860] =	vst v1  }
0xa1: {  	[hbm4b:s10+s4] =	stream.linear.scatter [tilespmem:s31], [sflag:$0x6], $0x4000, $0x38;
	[tilespmem:$0x1B800] =	vst v63  }
0xa2: {  	s8 =	simm.s32 $0x180  }
0xa3: {  	[tilespmem:s20], [sflag:$0x2] =	stream.indirect.gather [hbm4b:s5+s17], $0x80, s8, s17, $0xb8;
	[tilespmem:$0x1B800] =	vst v63  }
0xa4: {  	s16 =	simm.s32 $0x1D80;
	s0 =	simm.s32 $0x1  }
0xa5: {  	[tilespmem:s22], [sflag:$0x4] =	stream.indirect.gather [hbm4b:s2+s17], $0x80, s16, s17, $0xb8;
	[tilespmem:$0x1B800] =	vst v63  }
.LBB2_6:
0xa6: {  	_ =	swait.ge [sflag:s23], $0x4000  }
0xa7: {  	[sflag:s23] =	ssyncset.done $0x0  }
0xa8: {  	[sflag:s23] =	ssyncadd.s32 $0xFFFFC000  }
0xa9: {  	_ =	swait.ge [sflag:s24], $0x4000  }
0xaa: {  	[sflag:s24] =	ssyncset.done $0x0  }
0xab: {  	[sflag:s24] =	ssyncadd.s32 $0xFFFFC000  }
0xac: {  	_ =	swait.ge [sflag:s21], $0x4000  }
0xad: {  	[sflag:s21] =	ssyncset.done $0x0  }
0xae: {  	s1 =	simm.s32 $0x0;
	[sflag:s21] =	ssyncadd.s32 $0xFFFFC000  }
0xaf: {  	v0 =	vld [tilespmem:s1+$0x3870]  }
0xb0: {  	v1 =	vld [tilespmem:s1+$0xB870]  }
0xb1: {  	v2 =	vld [tilespmem:s1+$0x3800]  }
0xb2: {  	v3 =	vld [tilespmem:s1+$0xB800]  }
0xb3: {  	v4 =	vld [tilespmem:s1+$0x3810]  }
0xb4: {  	v5 =	vld [tilespmem:s1+$0xB810]  }
0xb5: {  	v6 =	vld [tilespmem:s1+$0x3820]  }
0xb6: {  	v7 =	vld [tilespmem:s1+$0x3830]  }
0xb7: {  	v0 =	vadd.f32 v1, v0;
	v1 =	vld [tilespmem:s1+$0xB820]  }
0xb8: {  	v8 =	vld [tilespmem:s1+$0xB830]  }
0xb9: {  	v9 =	vld [tilespmem:s1+$0xB840];
	v2 =	vadd.f32 v3, v2  }
0xba: {  	[tilespmem:s1+$0x13870] =	vst v0;
	v0 =	vadd.f32 v5, v4;
	v5 =	vld [tilespmem:s1+$0x3840]  }
0xbb: {  	v3 =	vld [tilespmem:s1+$0xB850];
	[tilespmem:s1+$0x13800] =	vst v2  }
0xbc: {  	v2 =	vld [tilespmem:s1+$0x3850];
	[tilespmem:s1+$0x13810] =	vst v0;
	v0 =	vadd.f32 v1, v6  }
0xbd: {  	v4 =	vld [tilespmem:s1+$0xB860];
	v6 =	vadd.f32 v8, v7  }
0xbe: {  	s16 =	simm.s32 $0x80;
	[tilespmem:s1+$0x13820] =	vst v0;
	v0 =	vld [tilespmem:s1+$0x3860]  }
0xbf: {  	s7 =	simm.s32 $0x400;
	v5 =	vadd.f32 v9, v5;
	v1 =	vld [tilespmem:s16+$0x3870];
	[tilespmem:s1+$0x13830] =	vst v6  }
.LBB2_7:
0xc0: {  	p0 =	sne.s32 s7, $0xFE00;
	v6 =	vld [tilespmem:s16+$0xB870]  }
0xc1: {  	v7 =	vld [tilespmem:s16+$0x3800];
	[tilespmem:s1+$0x13840] =	vst v5;
	v2 =	vadd.f32 v3, v2  }
0xc2: {  	v3 =	vld [tilespmem:s16+$0xB800]  }
0xc3: {  	v5 =	vld [tilespmem:s16+$0x3810];
	[tilespmem:s1+$0x13850] =	vst v2;
	v0 =	vadd.f32 v4, v0  }
0xc4: {  	v2 =	vld [tilespmem:s16+$0xB810]  }
0xc5: {  	v4 =	vld [tilespmem:s16+$0x3820];
	v1 =	vadd.f32 v6, v1;
	[tilespmem:s1+$0x13860] =	vst v0;
	s1 =	smov.u32 s16  }
0xc6: {  	v0 =	vld [tilespmem:s1+$0xB820]  }
0xc7: {  	v3 =	vadd.f32 v3, v7;
	v6 =	vld [tilespmem:s1+$0x3830];
	[tilespmem:s1+$0x13870] =	vst v1  }
0xc8: {  	v1 =	vld [tilespmem:s1+$0xB830]  }
0xc9: {  	[tilespmem:s1+$0x13800] =	vst v3;
	v2 =	vadd.f32 v2, v5;
	v5 =	vld [tilespmem:s1+$0x3840]  }
0xca: {  	v7 =	vld [tilespmem:s1+$0xB840]  }
.Ltmp2:
0xcb: {  	[tilespmem:s1+$0x13810] =	vst v2;
	v0 =	vadd.f32 v0, v4;
	v2 =	vld [tilespmem:s1+$0x3850];
	(pc) =	sbr.rel @p0 .LBB2_7-.Ltmp2, $4  }
0xcc: {  	v3 =	vld [tilespmem:s1+$0xB850]  }
0xcd: {  	[tilespmem:s1+$0x13820] =	vst v0;
	v6 =	vadd.f32 v1, v6;
	v0 =	vld [tilespmem:s1+$0x3860]  }
0xce: {  	s16 =	sshra.s32 s7, $0x2;
	v4 =	vld [tilespmem:s1+$0xB860]  }
0xcf: {  	s7 =	sadd.s32 $0x200, s7;
	v1 =	vld [tilespmem:s16+$0x3870];
	[tilespmem:s1+$0x13830] =	vst v6;
	v5 =	vadd.f32 v7, v5  }
0xd0: {  	v6 =	vld [tilespmem:s16+$0xB870]  }
0xd1: {  	v7 =	vld [tilespmem:s16+$0x3800];
	[tilespmem:s1+$0x13840] =	vst v5;
	v2 =	vadd.f32 v3, v2  }
0xd2: {  	v3 =	vld [tilespmem:s16+$0xB800]  }
0xd3: {  	v5 =	vld [tilespmem:s16+$0x3810];
	[tilespmem:s1+$0x13850] =	vst v2;
	v0 =	vadd.f32 v4, v0  }
0xd4: {  	v2 =	vld [tilespmem:s16+$0xB810]  }
0xd5: {  	v4 =	vld [tilespmem:s16+$0x3820];
	[tilespmem:s1+$0x13860] =	vst v0  }
0xd6: {  	v0 =	vadd.f32 v6, v1;
	v1 =	vld [tilespmem:s16+$0xB820]  }
0xd7: {  	v6 =	vld [tilespmem:s16+$0x3830]  }
0xd8: {  	v3 =	vadd.f32 v3, v7;
	[tilespmem:s16+$0x13870] =	vst v0;
	v0 =	vld [tilespmem:s16+$0xB830]  }
0xd9: {  	v7 =	vld [tilespmem:s16+$0xB860]  }
0xda: {  	[tilespmem:s16+$0x13800] =	vst v3;
	v2 =	vadd.f32 v2, v5;
	v3 =	vld [tilespmem:s16+$0x3840]  }
0xdb: {  	v5 =	vld [tilespmem:s16+$0xB840]  }
0xdc: {  	[tilespmem:s16+$0x13810] =	vst v2;
	v1 =	vadd.f32 v1, v4;
	v2 =	vld [tilespmem:s16+$0x3850]  }
0xdd: {  	v4 =	vld [tilespmem:s16+$0xB850]  }
0xde: {  	[tilespmem:s16+$0x13820] =	vst v1;
	v1 =	vld [tilespmem:s16+$0x3860];
	_ =	sdelay $0x1  }
0xdf: {  	v0 =	vadd.f32 v0, v6  }
0xe0: {  	v3 =	vadd.f32 v5, v3  }
0xe1: {  	s7 =	sshll.u32 s0, $0xF;
	[tilespmem:s16+$0x13830] =	vst v0;
	v0 =	vadd.f32 v4, v2  }
0xe2: {  	s1 =	sadd.s32 s6, s7;
	[tilespmem:s16+$0x13840] =	vst v3;
	v1 =	vadd.f32 v7, v1  }
0xe3: {  	s7 =	sshrl.u32 s1, $0x3;
	[tilespmem:s16+$0x13850] =	vst v0  }
0xe4: {  	s8 =	simm.s32 $0x0;
	s1 =	sshll.u32 s0, $0x8;
	s7 =	sadd.s32 s3, s7;
	[tilespmem:s16+$0x13860] =	vst v1  }
0xe5: {  	[hbm4b:s7+s8] =	stream.linear.scatter [tilespmem:s25], [sflag:$0x5], $0x4000, $0x38;
	[tilespmem:$0x1B800] =	vst v63  }
0xe6: {  	s8 =	sadd.s32 $0x100, s1  }
0xe7: {  	[tilespmem:s18], [sflag:$0x1] =	stream.indirect.gather [hbm4b:s5+s17], $0x80, s8, s17, $0xb8;
	[tilespmem:$0x1B800] =	vst v63  }
0xe8: {  	s16 =	sadd.s32 $0x1D00, s1  }
0xe9: {  	[tilespmem:s19], [sflag:$0x3] =	stream.indirect.gather [hbm4b:s2+s17], $0x80, s16, s17, $0xb8;
	[tilespmem:$0x1B800] =	vst v63  }
0xea: {  	_ =	swait.ge [sflag:s29], $0x4000  }
0xeb: {  	[sflag:s29] =	ssyncset.done $0x0  }
0xec: {  	[sflag:s29] =	ssyncadd.s32 $0xFFFFC000  }
0xed: {  	_ =	swait.ge [sflag:s30], $0x4000  }
0xee: {  	[sflag:s30] =	ssyncset.done $0x0  }
0xef: {  	[sflag:s30] =	ssyncadd.s32 $0xFFFFC000  }
0xf0: {  	_ =	swait.ge [sflag:s26], $0x4000  }
0xf1: {  	[sflag:s26] =	ssyncset.done $0x0  }
0xf2: {  	s16 =	simm.s32 $0x0;
	[sflag:s26] =	ssyncadd.s32 $0xFFFFC000  }
0xf3: {  	v0 =	vld [tilespmem:s16+$0x7870]  }
0xf4: {  	v1 =	vld [tilespmem:s16+$0xF870]  }
0xf5: {  	v2 =	vld [tilespmem:s16+$0x7800]  }
0xf6: {  	v3 =	vld [tilespmem:s16+$0xF800]  }
0xf7: {  	v4 =	vld [tilespmem:s16+$0x7810]  }
0xf8: {  	v5 =	vld [tilespmem:s16+$0xF810]  }
0xf9: {  	v6 =	vld [tilespmem:s16+$0x7820]  }
0xfa: {  	v7 =	vld [tilespmem:s16+$0x7830]  }
0xfb: {  	v0 =	vadd.f32 v1, v0;
	v1 =	vld [tilespmem:s16+$0xF820]  }
0xfc: {  	v8 =	vld [tilespmem:s16+$0xF830]  }
0xfd: {  	v9 =	vld [tilespmem:s16+$0xF840];
	v2 =	vadd.f32 v3, v2  }
0xfe: {  	[tilespmem:s16+$0x17870] =	vst v0;
	v0 =	vadd.f32 v5, v4;
	v5 =	vld [tilespmem:s16+$0x7840]  }
0xff: {  	v3 =	vld [tilespmem:s16+$0xF850];
	[tilespmem:s16+$0x17800] =	vst v2  }
0x100: {  	v2 =	vld [tilespmem:s16+$0x7850];
	[tilespmem:s16+$0x17810] =	vst v0;
	v0 =	vadd.f32 v1, v6  }
0x101: {  	v4 =	vld [tilespmem:s16+$0xF860];
	v6 =	vadd.f32 v8, v7  }
0x102: {  	s7 =	simm.s32 $0x80;
	[tilespmem:s16+$0x17820] =	vst v0;
	v0 =	vld [tilespmem:s16+$0x7860]  }
0x103: {  	s8 =	simm.s32 $0x400;
	v5 =	vadd.f32 v9, v5;
	v1 =	vld [tilespmem:s7+$0x7870];
	[tilespmem:s16+$0x17830] =	vst v6  }
.LBB2_9:
0x104: {  	p0 =	sne.s32 s8, $0xFE00;
	v6 =	vld [tilespmem:s7+$0xF870]  }
0x105: {  	v7 =	vld [tilespmem:s7+$0x7800];
	[tilespmem:s16+$0x17840] =	vst v5;
	v2 =	vadd.f32 v3, v2  }
0x106: {  	v3 =	vld [tilespmem:s7+$0xF800]  }
0x107: {  	v5 =	vld [tilespmem:s7+$0x7810];
	[tilespmem:s16+$0x17850] =	vst v2;
	v0 =	vadd.f32 v4, v0  }
0x108: {  	v2 =	vld [tilespmem:s7+$0xF810]  }
0x109: {  	v4 =	vld [tilespmem:s7+$0x7820];
	v1 =	vadd.f32 v6, v1;
	[tilespmem:s16+$0x17860] =	vst v0;
	s16 =	smov.u32 s7  }
0x10a: {  	v0 =	vld [tilespmem:s16+$0xF820]  }
0x10b: {  	v3 =	vadd.f32 v3, v7;
	v6 =	vld [tilespmem:s16+$0x7830];
	[tilespmem:s16+$0x17870] =	vst v1  }
0x10c: {  	v1 =	vld [tilespmem:s16+$0xF830]  }
0x10d: {  	[tilespmem:s16+$0x17800] =	vst v3;
	v2 =	vadd.f32 v2, v5;
	v5 =	vld [tilespmem:s16+$0x7840]  }
0x10e: {  	v7 =	vld [tilespmem:s16+$0xF840]  }
.Ltmp3:
0x10f: {  	[tilespmem:s16+$0x17810] =	vst v2;
	v0 =	vadd.f32 v0, v4;
	v2 =	vld [tilespmem:s16+$0x7850];
	(pc) =	sbr.rel @p0 .LBB2_9-.Ltmp3, $4  }
0x110: {  	v3 =	vld [tilespmem:s16+$0xF850]  }
0x111: {  	[tilespmem:s16+$0x17820] =	vst v0;
	v6 =	vadd.f32 v1, v6;
	v0 =	vld [tilespmem:s16+$0x7860]  }
0x112: {  	s7 =	sshra.s32 s8, $0x2;
	v4 =	vld [tilespmem:s16+$0xF860]  }
0x113: {  	s8 =	sadd.s32 $0x200, s8;
	v1 =	vld [tilespmem:s7+$0x7870];
	[tilespmem:s16+$0x17830] =	vst v6;
	v5 =	vadd.f32 v7, v5  }
0x114: {  	v6 =	vld [tilespmem:s7+$0xF870]  }
0x115: {  	v7 =	vld [tilespmem:s7+$0x7800];
	[tilespmem:s16+$0x17840] =	vst v5;
	v2 =	vadd.f32 v3, v2  }
0x116: {  	v51 =	vld [tilespmem:s7+$0xF800]  }
0x117: {  	v5 =	vld [tilespmem:s7+$0x7810];
	[tilespmem:s16+$0x17850] =	vst v2;
	v0 =	vadd.f32 v4, v0  }
0x118: {  	v2 =	vld [tilespmem:s7+$0xF810]  }
0x119: {  	v52 =	vld [tilespmem:s7+$0x7820];
	[tilespmem:s16+$0x17860] =	vst v0  }
0x11a: {  	v54 =	vld [tilespmem:s7+$0xF820]  }
0x11b: {  	v55 =	vld [tilespmem:s7+$0x7830]  }
0x11c: {  	v56 =	vld [tilespmem:s7+$0xF830]  }
0x11d: {  	v57 =	vld [tilespmem:s7+$0x7840]  }
0x11e: {  	v58 =	vld [tilespmem:s7+$0xF840]  }
0x11f: {  	v59 =	vld [tilespmem:s7+$0x7850]  }
0x120: {  	v53 =	vadd.f32 v6, v1;
	v60 =	vld [tilespmem:s7+$0xF850]  }
0x121: {  	v61 =	vld [tilespmem:s7+$0x7860];
	v3 =	vadd.f32 v51, v7  }
0x122: {  	v62 =	vld [tilespmem:s7+$0xF860];
	[tilespmem:s7+$0x17870] =	vst v53;
	v2 =	vadd.f32 v2, v5  }
0x123: {  	[tilespmem:s7+$0x17800] =	vst v3;
	v1 =	vadd.f32 v54, v52  }
0x124: {  	[tilespmem:s7+$0x17810] =	vst v2;
	v0 =	vadd.f32 v56, v55  }
0x125: {  	v3 =	vadd.f32 v58, v57;
	[tilespmem:s7+$0x17820] =	vst v1  }
0x126: {  	v63 =	vadd.f32 v60, v59;
	[tilespmem:s7+$0x17830] =	vst v0  }
0x127: {  	s8 =	sadd.s32 s1, s11;
	[tilespmem:s7+$0x17840] =	vst v3;
	v1 =	vadd.f32 v62, v61  }
0x128: {  	s0 =	sadd.s32 $0x1, s0;
	s8 =	sshll.u32 s8, $0x4;
	[tilespmem:s7+$0x17850] =	vst v63  }
0x129: {  	p0 =	sne.s32 s0, $0x18;
	s16 =	sadd.s32 s3, s8;
	[tilespmem:s7+$0x17860] =	vst v1  }
0x12a: {  	[hbm4b:s16+s4] =	stream.linear.scatter [tilespmem:s31], [sflag:$0x6], $0x4000, $0x38;
	[tilespmem:$0x1B800] =	vst v63  }
.Ltmp4:
0x12b: {  	_ = 	snop;
	(pc) =	sbr.rel @p0 .LBB2_6-.Ltmp4, $4  }
0x12c: {  	s8 =	sadd.s32 $0x180, s1  }
0x12d: {  	[tilespmem:s20], [sflag:$0x2] =	stream.indirect.gather [hbm4b:s5+s17], $0x80, s8, s17, $0xb8;
	[tilespmem:$0x1B800] =	vst v63  }
0x12e: {  	s16 =	sadd.s32 $0x1D80, s1  }
0x12f: {  	[tilespmem:s22], [sflag:$0x4] =	stream.indirect.gather [hbm4b:s2+s17], $0x80, s16, s17, $0xb8;
	[tilespmem:$0x1B800] =	vst v63  }
0x130: {  	_ =	swait.ge [sflag:s23], $0x4000  }
0x131: {  	[sflag:s23] =	ssyncset.done $0x0  }
0x132: {  	[sflag:s23] =	ssyncadd.s32 $0xFFFFC000  }
0x133: {  	_ =	swait.ge [sflag:s24], $0x4000  }
0x134: {  	[sflag:s24] =	ssyncset.done $0x0  }
0x135: {  	[sflag:s24] =	ssyncadd.s32 $0xFFFFC000  }
0x136: {  	_ =	swait.ge [sflag:s21], $0x4000  }
0x137: {  	[sflag:s21] =	ssyncset.done $0x0  }
0x138: {  	s0 =	simm.s32 $0x0;
	[sflag:s21] =	ssyncadd.s32 $0xFFFFC000  }
0x139: {  	v0 =	vld [tilespmem:s0+$0x3870]  }
0x13a: {  	v1 =	vld [tilespmem:s0+$0xB870]  }
0x13b: {  	v2 =	vld [tilespmem:s0+$0x3800]  }
0x13c: {  	v3 =	vld [tilespmem:s0+$0xB800]  }
0x13d: {  	v4 =	vld [tilespmem:s0+$0x3810]  }
0x13e: {  	v5 =	vld [tilespmem:s0+$0xB810]  }
0x13f: {  	v6 =	vld [tilespmem:s0+$0x3820]  }
0x140: {  	v7 =	vld [tilespmem:s0+$0x3830]  }
0x141: {  	v0 =	vadd.f32 v1, v0;
	v1 =	vld [tilespmem:s0+$0xB820]  }
0x142: {  	v8 =	vld [tilespmem:s0+$0xB830]  }
0x143: {  	v9 =	vld [tilespmem:s0+$0xB840];
	v2 =	vadd.f32 v3, v2  }
0x144: {  	[tilespmem:s0+$0x13870] =	vst v0;
	v0 =	vadd.f32 v5, v4;
	v5 =	vld [tilespmem:s0+$0x3840]  }
0x145: {  	v3 =	vld [tilespmem:s0+$0xB850];
	[tilespmem:s0+$0x13800] =	vst v2  }
0x146: {  	v2 =	vld [tilespmem:s0+$0x3850];
	[tilespmem:s0+$0x13810] =	vst v0;
	v0 =	vadd.f32 v1, v6  }
0x147: {  	v4 =	vld [tilespmem:s0+$0xB860];
	v6 =	vadd.f32 v8, v7  }
0x148: {  	s1 =	simm.s32 $0x80;
	[tilespmem:s0+$0x13820] =	vst v0;
	v0 =	vld [tilespmem:s0+$0x3860]  }
0x149: {  	s7 =	simm.s32 $0x400;
	v5 =	vadd.f32 v9, v5;
	v1 =	vld [tilespmem:s1+$0x3870];
	[tilespmem:s0+$0x13830] =	vst v6  }
.LBB2_12:
0x14a: {  	p0 =	sne.s32 s7, $0xFE00;
	v6 =	vld [tilespmem:s1+$0xB870]  }
0x14b: {  	v7 =	vld [tilespmem:s1+$0x3800];
	[tilespmem:s0+$0x13840] =	vst v5;
	v2 =	vadd.f32 v3, v2  }
0x14c: {  	v3 =	vld [tilespmem:s1+$0xB800]  }
0x14d: {  	v5 =	vld [tilespmem:s1+$0x3810];
	[tilespmem:s0+$0x13850] =	vst v2;
	v0 =	vadd.f32 v4, v0  }
0x14e: {  	v2 =	vld [tilespmem:s1+$0xB810]  }
0x14f: {  	v4 =	vld [tilespmem:s1+$0x3820];
	v1 =	vadd.f32 v6, v1;
	[tilespmem:s0+$0x13860] =	vst v0;
	s0 =	smov.u32 s1  }
0x150: {  	v0 =	vld [tilespmem:s0+$0xB820]  }
0x151: {  	v3 =	vadd.f32 v3, v7;
	v6 =	vld [tilespmem:s0+$0x3830];
	[tilespmem:s0+$0x13870] =	vst v1  }
0x152: {  	v1 =	vld [tilespmem:s0+$0xB830]  }
0x153: {  	[tilespmem:s0+$0x13800] =	vst v3;
	v2 =	vadd.f32 v2, v5;
	v5 =	vld [tilespmem:s0+$0x3840]  }
0x154: {  	v7 =	vld [tilespmem:s0+$0xB840]  }
.Ltmp5:
0x155: {  	[tilespmem:s0+$0x13810] =	vst v2;
	v0 =	vadd.f32 v0, v4;
	v2 =	vld [tilespmem:s0+$0x3850];
	(pc) =	sbr.rel @p0 .LBB2_12-.Ltmp5, $4  }
0x156: {  	v3 =	vld [tilespmem:s0+$0xB850]  }
0x157: {  	[tilespmem:s0+$0x13820] =	vst v0;
	v6 =	vadd.f32 v1, v6;
	v0 =	vld [tilespmem:s0+$0x3860]  }
0x158: {  	s1 =	sshra.s32 s7, $0x2;
	v4 =	vld [tilespmem:s0+$0xB860]  }
0x159: {  	s7 =	sadd.s32 $0x200, s7;
	v1 =	vld [tilespmem:s1+$0x3870];
	[tilespmem:s0+$0x13830] =	vst v6;
	v5 =	vadd.f32 v7, v5  }
0x15a: {  	v6 =	vld [tilespmem:s1+$0xB870]  }
0x15b: {  	v7 =	vld [tilespmem:s1+$0x3800];
	[tilespmem:s0+$0x13840] =	vst v5;
	v2 =	vadd.f32 v3, v2  }
0x15c: {  	v3 =	vld [tilespmem:s1+$0xB800]  }
0x15d: {  	v5 =	vld [tilespmem:s1+$0x3810];
	[tilespmem:s0+$0x13850] =	vst v2;
	v0 =	vadd.f32 v4, v0  }
0x15e: {  	v2 =	vld [tilespmem:s1+$0xB810]  }
0x15f: {  	v4 =	vld [tilespmem:s1+$0x3820];
	[tilespmem:s0+$0x13860] =	vst v0  }
0x160: {  	v0 =	vadd.f32 v6, v1;
	v1 =	vld [tilespmem:s1+$0xB820]  }
0x161: {  	v6 =	vld [tilespmem:s1+$0x3830]  }
0x162: {  	v3 =	vadd.f32 v3, v7;
	[tilespmem:s1+$0x13870] =	vst v0;
	v0 =	vld [tilespmem:s1+$0xB830]  }
0x163: {  	v7 =	vld [tilespmem:s1+$0xB860]  }
0x164: {  	[tilespmem:s1+$0x13800] =	vst v3;
	v2 =	vadd.f32 v2, v5;
	v3 =	vld [tilespmem:s1+$0x3840]  }
0x165: {  	v5 =	vld [tilespmem:s1+$0xB840]  }
0x166: {  	[tilespmem:s1+$0x13810] =	vst v2;
	v1 =	vadd.f32 v1, v4;
	v2 =	vld [tilespmem:s1+$0x3850]  }
0x167: {  	v4 =	vld [tilespmem:s1+$0xB850]  }
0x168: {  	[tilespmem:s1+$0x13820] =	vst v1;
	v1 =	vld [tilespmem:s1+$0x3860];
	_ =	sdelay $0x1  }
0x169: {  	v0 =	vadd.f32 v0, v6  }
0x16a: {  	v3 =	vadd.f32 v5, v3  }
0x16b: {  	[tilespmem:s1+$0x13830] =	vst v0;
	v0 =	vadd.f32 v4, v2  }
0x16c: {  	[tilespmem:s1+$0x13840] =	vst v3;
	v1 =	vadd.f32 v7, v1  }
0x16d: {  	[tilespmem:s1+$0x13850] =	vst v0  }
0x16e: {  	s16 =	simm.s32 $0x0;
	[tilespmem:s1+$0x13860] =	vst v1  }
0x16f: {  	[hbm4b:s12+s16] =	stream.linear.scatter [tilespmem:s25], [sflag:$0x5], $0x4000, $0x38;
	[tilespmem:$0x1B800] =	vst v63  }
0x170: {  	_ =	swait.ge [sflag:s29], $0x4000  }
0x171: {  	[sflag:s29] =	ssyncset.done $0x0  }
0x172: {  	[sflag:s29] =	ssyncadd.s32 $0xFFFFC000  }
0x173: {  	_ =	swait.ge [sflag:s30], $0x4000  }
0x174: {  	[sflag:s30] =	ssyncset.done $0x0  }
0x175: {  	[sflag:s30] =	ssyncadd.s32 $0xFFFFC000  }
0x176: {  	_ =	swait.ge [sflag:s26], $0x4000  }
0x177: {  	[sflag:s26] =	ssyncset.done $0x0  }
0x178: {  	s0 =	simm.s32 $0x0;
	[sflag:s26] =	ssyncadd.s32 $0xFFFFC000  }
0x179: {  	v0 =	vld [tilespmem:s0+$0x7870]  }
0x17a: {  	v1 =	vld [tilespmem:s0+$0xF870]  }
0x17b: {  	v2 =	vld [tilespmem:s0+$0x7800]  }
0x17c: {  	v3 =	vld [tilespmem:s0+$0xF800]  }
0x17d: {  	v4 =	vld [tilespmem:s0+$0x7810]  }
0x17e: {  	v5 =	vld [tilespmem:s0+$0xF810]  }
0x17f: {  	v6 =	vld [tilespmem:s0+$0x7820]  }
0x180: {  	v7 =	vld [tilespmem:s0+$0x7830]  }
0x181: {  	v0 =	vadd.f32 v1, v0;
	v1 =	vld [tilespmem:s0+$0xF820]  }
0x182: {  	v8 =	vld [tilespmem:s0+$0xF830]  }
0x183: {  	v9 =	vld [tilespmem:s0+$0xF840];
	v2 =	vadd.f32 v3, v2  }
0x184: {  	[tilespmem:s0+$0x17870] =	vst v0;
	v0 =	vadd.f32 v5, v4;
	v5 =	vld [tilespmem:s0+$0x7840]  }
0x185: {  	v3 =	vld [tilespmem:s0+$0xF850];
	[tilespmem:s0+$0x17800] =	vst v2  }
0x186: {  	v2 =	vld [tilespmem:s0+$0x7850];
	[tilespmem:s0+$0x17810] =	vst v0;
	v0 =	vadd.f32 v1, v6  }
0x187: {  	v4 =	vld [tilespmem:s0+$0xF860];
	v6 =	vadd.f32 v8, v7  }
0x188: {  	s1 =	simm.s32 $0x80;
	[tilespmem:s0+$0x17820] =	vst v0;
	v0 =	vld [tilespmem:s0+$0x7860]  }
0x189: {  	s7 =	simm.s32 $0x400;
	v5 =	vadd.f32 v9, v5;
	v1 =	vld [tilespmem:s1+$0x7870];
	[tilespmem:s0+$0x17830] =	vst v6  }
.LBB2_14:
0x18a: {  	p0 =	sne.s32 s7, $0xFE00;
	v6 =	vld [tilespmem:s1+$0xF870]  }
0x18b: {  	v7 =	vld [tilespmem:s1+$0x7800];
	[tilespmem:s0+$0x17840] =	vst v5;
	v2 =	vadd.f32 v3, v2  }
0x18c: {  	v3 =	vld [tilespmem:s1+$0xF800]  }
0x18d: {  	v5 =	vld [tilespmem:s1+$0x7810];
	[tilespmem:s0+$0x17850] =	vst v2;
	v0 =	vadd.f32 v4, v0  }
0x18e: {  	v2 =	vld [tilespmem:s1+$0xF810]  }
0x18f: {  	v4 =	vld [tilespmem:s1+$0x7820];
	v1 =	vadd.f32 v6, v1;
	[tilespmem:s0+$0x17860] =	vst v0;
	s0 =	smov.u32 s1  }
0x190: {  	v0 =	vld [tilespmem:s0+$0xF820]  }
0x191: {  	v3 =	vadd.f32 v3, v7;
	v6 =	vld [tilespmem:s0+$0x7830];
	[tilespmem:s0+$0x17870] =	vst v1  }
0x192: {  	v1 =	vld [tilespmem:s0+$0xF830]  }
0x193: {  	[tilespmem:s0+$0x17800] =	vst v3;
	v2 =	vadd.f32 v2, v5;
	v5 =	vld [tilespmem:s0+$0x7840]  }
0x194: {  	v7 =	vld [tilespmem:s0+$0xF840]  }
.Ltmp6:
0x195: {  	[tilespmem:s0+$0x17810] =	vst v2;
	v0 =	vadd.f32 v0, v4;
	v2 =	vld [tilespmem:s0+$0x7850];
	(pc) =	sbr.rel @p0 .LBB2_14-.Ltmp6, $4  }
0x196: {  	v3 =	vld [tilespmem:s0+$0xF850]  }
0x197: {  	[tilespmem:s0+$0x17820] =	vst v0;
	v6 =	vadd.f32 v1, v6;
	v0 =	vld [tilespmem:s0+$0x7860]  }
0x198: {  	s1 =	sshra.s32 s7, $0x2;
	v4 =	vld [tilespmem:s0+$0xF860]  }
0x199: {  	s7 =	sadd.s32 $0x200, s7;
	v1 =	vld [tilespmem:s1+$0x7870];
	[tilespmem:s0+$0x17830] =	vst v6;
	v5 =	vadd.f32 v7, v5  }
0x19a: {  	v6 =	vld [tilespmem:s1+$0xF870]  }
0x19b: {  	v7 =	vld [tilespmem:s1+$0x7800];
	[tilespmem:s0+$0x17840] =	vst v5;
	v2 =	vadd.f32 v3, v2  }
0x19c: {  	v51 =	vld [tilespmem:s1+$0xF800]  }
0x19d: {  	v5 =	vld [tilespmem:s1+$0x7810];
	[tilespmem:s0+$0x17850] =	vst v2;
	v0 =	vadd.f32 v4, v0  }
0x19e: {  	v2 =	vld [tilespmem:s1+$0xF810]  }
0x19f: {  	v52 =	vld [tilespmem:s1+$0x7820];
	[tilespmem:s0+$0x17860] =	vst v0  }
0x1a0: {  	v54 =	vld [tilespmem:s1+$0xF820]  }
0x1a1: {  	v55 =	vld [tilespmem:s1+$0x7830]  }
0x1a2: {  	v56 =	vld [tilespmem:s1+$0xF830]  }
0x1a3: {  	v57 =	vld [tilespmem:s1+$0x7840]  }
0x1a4: {  	v58 =	vld [tilespmem:s1+$0xF840]  }
0x1a5: {  	v59 =	vld [tilespmem:s1+$0x7850]  }
0x1a6: {  	v53 =	vadd.f32 v6, v1;
	v60 =	vld [tilespmem:s1+$0xF850]  }
0x1a7: {  	v61 =	vld [tilespmem:s1+$0x7860];
	v3 =	vadd.f32 v51, v7  }
0x1a8: {  	v62 =	vld [tilespmem:s1+$0xF860];
	[tilespmem:s1+$0x17870] =	vst v53;
	v2 =	vadd.f32 v2, v5  }
0x1a9: {  	[tilespmem:s1+$0x17800] =	vst v3;
	v1 =	vadd.f32 v54, v52  }
0x1aa: {  	[tilespmem:s1+$0x17810] =	vst v2;
	v0 =	vadd.f32 v56, v55  }
0x1ab: {  	v3 =	vadd.f32 v58, v57;
	[tilespmem:s1+$0x17820] =	vst v1  }
0x1ac: {  	v63 =	vadd.f32 v60, v59;
	[tilespmem:s1+$0x17830] =	vst v0  }
0x1ad: {  	[tilespmem:s1+$0x17840] =	vst v3;
	v1 =	vadd.f32 v62, v61  }
0x1ae: {  	[tilespmem:s1+$0x17850] =	vst v63  }
0x1af: {  	s28 =	sadd.s32 $0x1, s28;
	[tilespmem:s1+$0x17860] =	vst v1  }
0x1b0: {  	[hbm4b:s13+s4] =	stream.linear.scatter [tilespmem:s31], [sflag:$0x6], $0x4000, $0x38;
	[tilespmem:$0x1B800] =	vst v63  }
0x1b1: {  	p0 =	sne.s32 s28, s14;
	_ =	swait.ge [sflag:s21], $0x4000  }
.Ltmp7:
0x1b2: {  	[sflag:s21] =	ssyncset.done $0x0;
	(pc) =	sbr.rel @p0 .LBB2_1-.Ltmp7, $4  }
0x1b3: {  	[sflag:s21] =	ssyncadd.s32 $0xFFFFC000  }
0x1b4: {  	_ =	swait.ge [sflag:s26], $0x4000  }
0x1b5: {  	[sflag:s26] =	ssyncset.done $0x0  }
0x1b6: {  	[sflag:s26] =	ssyncadd.s32 $0xFFFFC000  }
0x1b7: {  	_ =	sfence.sel $0x180000  }
0x1b8: {  	[bflag:$0x0] =	sbarrier.arrive $0xFFFF  }
0x1b9: {  	_ =	strace $0x90000047  }
0x1ba: {  	s0 =	stileid.u32;
	[bflag:$0x2] =	sbarrier.arrive $0xFFFF  }
0x1bb: {  	p0 =	sne.s32 s0, $0x0;
	s0 =	rddreg [dreg:$0x3]  }
0x1bc: {  	s0 =	sadd.s32 @!p0 $0x100000, s0  }
0x1bd: {  	[sflag:s0] =	ssyncadd.tile.s32 @!p0 $0x1;
	_ =	shalt  }
.Lfunc_end2:
_tile_overlayer_lowered:
.L_overlay_start_2:
0x1be: {  	(tag) =	ssettag $0x2  }
0x1bf: {  	s0 =	rddreg [dreg:$0x0];
	s2 =	stileid.u32  }
0x1c0: {  	s1 =	rddreg [dreg:$0x1];
	p0 =	sne.s32 s2, $0x0  }
0x1c1: {  	s3 =	rddreg [dreg:$0x2];
	[bflag:$0x3] =	sbarrier.arrive $0xFFFF;
	s2 =	simm.s32 @!p0 $0x1C07  }
0x1c2: {  	[timem:s3], [sflag:s2] =	dma.local @!p0 [hbm:s0], s1  }
0x1c3: {  	s0 =	simm.s32 @!p0 $0x7  }
0x1c4: {  	_ =	swait.ge @!p0 [sflag:s0], s1  }
0x1c5: {  	s1 =	ssub.s32 @!p0 $0x0, s1;
	[sflag:s0] =	ssyncset.done @!p0 $0x0  }
0x1c6: {  	[sflag:s0] =	ssyncadd.s32 @!p0 s1  }
0x1c7: {  	[bflag:$0x3] =	sbarrier.arrive $0xFFFF  }
0x1c8: {  	_ =	shalt  }

</sc_bundles>
